<compile_context>
chip_gen: v7x
topology: tpu7x:2x2x1
jax: 0.10.2.dev20260603
libtpu: 0.0.44.dev20260713+nightly
codegen_flags: <defaults>
</compile_context>

<pallas_src>
import functools

import jax
import jax.numpy as jnp
import numpy as np
from jax import lax
from jax.experimental import pallas as pl
from jax.experimental.pallas import tpu as pltpu
from jax.experimental.pallas import tpu_sc as plsc

_B, _C, _H, _W = 4, 384, 128, 128
_HW = _H * _W
_N = _B * _HW
_SAMPLE = 512
_TEMPERATURE = 0.1
_NT = 32
_PF1 = (2 * _SAMPLE) // _NT
_PF2 = _SAMPLE // _NT


def _rotl(x, r):
    x = x.astype(np.uint32)
    return ((x << np.uint32(r)) | (x >> np.uint32(32 - r))).astype(np.uint32)


def _threefry2x32(k0, k1, x0, x1):
    x0 = np.asarray(x0, np.uint32).copy()
    x1 = np.asarray(x1, np.uint32).copy()
    ks0, ks1 = np.uint32(k0), np.uint32(k1)
    ks2 = np.uint32(ks0 ^ ks1 ^ np.uint32(0x1BD11BDA))
    rot = ((13, 15, 26, 6), (17, 29, 16, 24))
    x0 = x0 + ks0
    x1 = x1 + ks1
    sched = [(ks1, ks2), (ks2, ks0), (ks0, ks1), (ks1, ks2), (ks2, ks0)]
    for i in range(5):
        for r in rot[i % 2]:
            x0 = (x0 + x1).astype(np.uint32)
            x1 = _rotl(x1, r)
            x1 = x1 ^ x0
        a, b = sched[i]
        x0 = (x0 + a).astype(np.uint32)
        x1 = (x1 + b + np.uint32(i + 1)).astype(np.uint32)
    return x0, x1


def _np_permutation(seed, n):
    k = (np.uint32(0), np.uint32(seed))
    x = np.arange(n, dtype=np.int32)
    num_rounds = int(np.ceil(3 * np.log(max(1, n)) / np.log(2**32 - 1)))
    for _ in range(num_rounds):
        h0, h1 = _threefry2x32(k[0], k[1], np.zeros(2, np.uint32),
                               np.arange(2, dtype=np.uint32))
        k = (h0[0], h1[0])
        sub = (h0[1], h1[1])
        b1, b2 = _threefry2x32(sub[0], sub[1], np.zeros(n, np.uint32),
                               np.arange(n, dtype=np.uint32))
        order = np.argsort(b1 ^ b2, kind="stable")
        x = x[order]
    return x


def _pad16(n):
    return ((n + 127) // 128) * 128


@functools.lru_cache(maxsize=1)
def _plan():
    p1 = _np_permutation(1, _N)[:_SAMPLE]
    p1c = _np_permutation(2, _N)[:_SAMPLE]
    p2c = _np_permutation(3, _N)[:_SAMPLE]

    f1_pix = np.concatenate([p1, p1c]).astype(np.int64)
    f2_pix = p2c.astype(np.int64)

    def pack_by_bh(pix, orig0, per_tile):
        orig = np.arange(len(pix), dtype=np.int64) + orig0
        key = pix // _W
        order = np.lexsort((orig, key))
        skey, sorig, spix = key[order], orig[order], pix[order]
        bounds = np.flatnonzero(np.r_[True, skey[1:] != skey[:-1]])
        bounds = np.r_[bounds, len(skey)]
        groups = [(bounds[i], bounds[i + 1]) for i in range(len(bounds) - 1)]
        groups.sort(key=lambda g: g[0] - g[1])
        cap = [per_tile] * _NT
        tiles = [[] for _ in range(_NT)]
        for s, e in groups:
            size = e - s
            while size > 0:
                fit = [t for t in range(_NT) if cap[t] >= size]
                if fit:
                    t = min(fit, key=lambda t: (len(tiles[t]), -cap[t]))
                    take = size
                else:
                    t = max(range(_NT), key=lambda t: cap[t])
                    take = cap[t]
                tiles[t].append((s, s + take))
                cap[t] -= take
                s += take
                size -= take
        out_pix = np.empty(len(pix), np.int64)
        out_orig = np.empty(len(pix), np.int64)
        flags = np.zeros(len(pix), np.int64)
        i = 0
        for t in range(_NT):
            assert sum(e - s for s, e in tiles[t]) == per_tile
            for s, e in tiles[t]:
                flags[i] = 1
                out_pix[i:i + e - s] = spix[s:e]
                out_orig[i:i + e - s] = sorig[s:e]
                i += e - s
        return out_pix, out_orig, flags

    s1, o1, fl1 = pack_by_bh(f1_pix, 0, _PF1)
    s2, o2, fl2 = pack_by_bh(f2_pix, 1024, _PF2)

    c = np.arange(_C, dtype=np.int64)

    def feat_rows(pix):
        b = pix // _HW
        h = (pix % _HW) // _W
        return (b[:, None] * _C + c[None, :]) * _H + h[:, None]

    def lab_rows_lanes(pix):
        b = pix // _HW
        h = (pix % _HW) // _W
        w = pix % _W
        return b * 512 + 4 * h, 4 * w

    def chunk_flags(f, per_tile):
        nt_chunks = per_tile * 3
        cf = np.repeat(f.reshape(_NT, per_tile), 3, axis=1)
        out = np.zeros((_NT, _pad16((nt_chunks + 2) * 16)), np.int64)
        out[:, :nt_chunks * 16] = np.repeat(cf, 16, axis=1)
        return out

    lr1, ll1 = lab_rows_lanes(s1)
    lr2, ll2 = lab_rows_lanes(s2)

    def i32(a):
        return np.ascontiguousarray(a, dtype=np.int32)

    labmeta = np.zeros((_NT, 128), np.int64)
    labmeta[:, 0:32] = lr1.reshape(_NT, _PF1)
    labmeta[:, 32:48] = lr2.reshape(_NT, _PF2)
    labmeta[:, 48:80] = ll1.reshape(_NT, _PF1)
    labmeta[:, 80:96] = ll2.reshape(_NT, _PF2)

    obase = np.concatenate(
        [o1.reshape(_NT, _PF1), o2.reshape(_NT, _PF2)], axis=1)
    obase = np.repeat(obase, 16, axis=1)

    return {
        "idx1": i32(feat_rows(s1).reshape(_NT, _PF1 * _C)),
        "idx2": i32(feat_rows(s2).reshape(_NT, _PF2 * _C)),
        "lane1": i32(np.broadcast_to(
            (s1 % _W).reshape(_NT, _PF1, 1, 1), (_NT, _PF1, 3, 16)
        ).reshape(_NT, _PF1 * 48)),
        "lane2": i32(np.broadcast_to(
            (s2 % _W).reshape(_NT, _PF2, 1, 1), (_NT, _PF2, 3, 16)
        ).reshape(_NT, _PF2 * 48)),
        "flags1": i32(chunk_flags(fl1, _PF1)),
        "flags2": i32(chunk_flags(fl2, _PF2)),
        "obase": i32(obase),
        "labmeta": i32(labmeta),
        "n_new": int(fl1.sum() + fl2.sum()),
    }


def _sc_gather_body(
    f1_tab, f2_tab, l1_tab, l2_tab,
    idx1_h, idx2_h, lane1_h, lane2_h, flags1_h, flags2_h, obase_h, labmeta_h,
    g_out,
    idx1_v, idx2_v, lane1_v, lane2_v, flags1_v, flags2_v, obase_v, labmeta_v,
    rows0_v, rows1_v, rows2_v, labrows1_v, labrows2_v,
    out_v, s0, s1, s2, sl1, sl2, so,
):
    wid = lax.axis_index("s") * 2 + lax.axis_index("c")
    iota = lax.iota(jnp.int32, 16)
    rings = (rows0_v, rows1_v, rows2_v)
    sems = (s0, s1, s2)

    pltpu.sync_copy(idx1_h.at[wid], idx1_v)
    pltpu.sync_copy(idx2_h.at[wid], idx2_v)
    pltpu.sync_copy(lane1_h.at[wid], lane1_v)
    pltpu.sync_copy(lane2_h.at[wid], lane2_v)
    pltpu.sync_copy(flags1_h.at[wid], flags1_v)
    pltpu.sync_copy(flags2_h.at[wid], flags2_v)
    pltpu.sync_copy(obase_h.at[wid], obase_v)
    pltpu.sync_copy(labmeta_h.at[wid], labmeta_v)

    dl1 = pltpu.async_copy(l1_tab.at[labmeta_v.at[pl.ds(0, _PF1)]],
                           labrows1_v, sl1)
    dl2 = pltpu.async_copy(l2_tab.at[labmeta_v.at[pl.ds(_PF1, _PF2)]],
                           labrows2_v, sl2)
    dl1.wait()
    dl2.wait()
    for g in range(_PF1 // 16):
        lanes = labmeta_v[pl.ds(48 + g * 16, 16)]
        vals = plsc.load_gather(labrows1_v, [g * 16 + iota, lanes])
        plsc.store_scatter(out_v, [(g * 16 + iota) * 512 + 384],
                           vals.astype(jnp.float32))
    for g in range(_PF2 // 16):
        lanes = labmeta_v[pl.ds(80 + g * 16, 16)]
        vals = plsc.load_gather(labrows2_v, [g * 16 + iota, lanes])
        plsc.store_scatter(out_v, [(_PF1 + g * 16 + iota) * 512 + 384],
                           vals.astype(jnp.float32))

    def stream_table(tab, idx_v, lane_v, flags_v, n_chunks, out_off, pix0):
        def issue_if(c, b):
            fv = flags_v[pl.ds(c * 16, 16)]

            @pl.when(fv[0] > 0)
            def _():
                pltpu.async_copy(
                    tab.at[idx_v.at[pl.ds(c * 128, 128)]], rings[b], sems[b])

        def drain_if(c, b):
            fv = flags_v[pl.ds(c * 16, 16)]

            @pl.when(fv[0] > 0)
            def _():
                pltpu.make_async_copy(
                    tab.at[idx_v.at[pl.ds(c * 128, 128)]],
                    rings[b], sems[b]).wait()

        issue_if(0, 0)
        issue_if(1, 1)

        def tri(i, carry):
            c0 = i * 3
            for b in range(3):
                c = c0 + b
                issue_if(c + 2, (b + 2) % 3)
                drain_if(c, b)
                lanes = lane_v[pl.ds(c * 16, 16)]
                ring_b = rings[b]
                obs = out_off + i * 512 + b * 128

                def ext(g, carry2, ring_b=ring_b, obs=obs, lanes=lanes):
                    vals = plsc.load_gather(ring_b, [g * 16 + iota, lanes])
                    out_v[pl.ds(obs + g * 16, 16)] = vals
                    return carry2

                lax.fori_loop(0, 8, ext, 0)

            ob = obase_v[pl.ds((pix0 + i) * 16, 16)]
            pltpu.async_copy(
                out_v.at[pl.ds(out_off + i * 512, 512)],
                g_out.at[ob[0]], so)
            return carry

        lax.fori_loop(0, n_chunks // 3, tri, 0)

    stream_table(f1_tab, idx1_v, lane1_v, flags1_v, 3 * _PF1, 0, 0)
    stream_table(f2_tab, idx2_v, lane2_v, flags2_v, 3 * _PF2,
                 _PF1 * 512, _PF1)

    def drain_out(i, carry):
        pltpu.make_async_copy(
            out_v.at[pl.ds(0, 512)], g_out.at[0], so).wait()
        return carry

    lax.fori_loop(0, _PF1 + _PF2, drain_out, 0)


@functools.lru_cache(maxsize=1)
def _build_sc_gather():
    mesh = plsc.VectorSubcoreMesh(core_axis_name="c", subcore_axis_name="s")
    return pl.kernel(
        _sc_gather_body,
        out_type=jax.ShapeDtypeStruct((1536, 512), jnp.float32),
        mesh=mesh,
        compiler_params=pltpu.CompilerParams(needs_layout_passes=False),
        scratch_types=[
            pltpu.VMEM((_PF1 * _C,), jnp.int32),
            pltpu.VMEM((_PF2 * _C,), jnp.int32),
            pltpu.VMEM((_PF1 * 48,), jnp.int32),
            pltpu.VMEM((_PF2 * 48,), jnp.int32),
            pltpu.VMEM((_pad16((3 * _PF1 + 2) * 16),), jnp.int32),
            pltpu.VMEM((_pad16((3 * _PF2 + 2) * 16),), jnp.int32),
            pltpu.VMEM(((_PF1 + _PF2) * 16,), jnp.int32),
            pltpu.VMEM((128,), jnp.int32),
            pltpu.VMEM((128, _W), jnp.float32),
            pltpu.VMEM((128, _W), jnp.float32),
            pltpu.VMEM((128, _W), jnp.float32),
            pltpu.VMEM((_PF1, 512), jnp.int32),
            pltpu.VMEM((_PF2, 512), jnp.int32),
            pltpu.VMEM(((_PF1 + _PF2) * 512,), jnp.float32),
            pltpu.SemaphoreType.DMA,
            pltpu.SemaphoreType.DMA,
            pltpu.SemaphoreType.DMA,
            pltpu.SemaphoreType.DMA,
            pltpu.SemaphoreType.DMA,
            pltpu.SemaphoreType.DMA,
        ],
    )


def _tc_loss_body(x_ref, out_ref):
    x = x_ref[...]
    g = x[:, :_C]
    lcol = x[:, _C:_C + 1]
    ss = jnp.sum(g * g, axis=1, keepdims=True)
    norm = jnp.maximum(jnp.sqrt(ss), 1e-12)
    gn = g / norm
    anchors = gn[0:512, :]
    contras = gn[512:1536, :]
    logits = lax.dot_general(
        anchors, contras, (((1,), (1,)), ((), ())),
        preferred_element_type=jnp.float32,
    ) * (1.0 / _TEMPERATURE)

    a = lcol[0:512]
    c = jnp.transpose(lcol[512:1536])
    eq = a == c
    ri = lax.broadcasted_iota(jnp.int32, (512, 1024), 0)
    ci = lax.broadcasted_iota(jnp.int32, (512, 1024), 1)
    mask = jnp.where(eq & (ri != ci), 1.0, 0.0)

    lmax = jnp.max(logits, axis=1, keepdims=True)
    l = logits - lmax
    e = jnp.exp(l)
    negsum = jnp.sum(e * (1.0 - mask), axis=1, keepdims=True)
    lp = l - jnp.log(e + negsum)
    msum = jnp.sum(mask, axis=1)
    msum = jnp.where(msum == 0.0, 1.0, msum)
    mlpp = jnp.sum(mask * lp, axis=1) / msum
    out_ref[0, 0] = -jnp.mean(mlpp)


def _tc_loss(x):
    return pl.pallas_call(
        _tc_loss_body,
        out_shape=jax.ShapeDtypeStruct((1, 1), jnp.float32),
        out_specs=pl.BlockSpec(memory_space=pltpu.SMEM),
    )(x)


def kernel(feat1, label1, feat2, label2):
    plan = _plan()
    x = _build_sc_gather()(
        feat1.reshape(-1, _W),
        feat2.reshape(-1, _W),
        label1.reshape(-1, 512),
        label2.reshape(-1, 512),
        plan["idx1"], plan["idx2"], plan["lane1"], plan["lane2"],
        plan["flags1"], plan["flags2"], plan["obase"], plan["labmeta"],
    )
    return _tc_loss(x)[0, 0]

# --- scband reference (transcript-rebuilt; emitter-appended) ---
"""Pipeline reference for scband-multi-class-contrast-loss-19636590477420 (READ-ONLY COPY).

The authoritative reference and input builder live on the scoring server;
editing this copy changes nothing except your own understanding.
"""

import jax, jax.numpy as jnp
import numpy as np

NUM_CLASSES = 19
TEMPERATURE = 0.1
IGNORE_IDX = 255
MAX_VIEWS = 512


def setup_inputs(seed: int = 0) -> dict:
    key = jax.random.key(seed)
    k1, k2, k3, k4 = jax.random.split(key, 4)
    feat1 = jax.random.normal(k1, (4, 384, 128, 128), dtype=jnp.float32)
    feat2 = jax.random.normal(k2, (4, 384, 128, 128), dtype=jnp.float32)
    # labels in [0, NUM_CLASSES): no pixel equals IGNORE_IDX, so every pixel is valid
    label1 = jax.random.randint(k3, (4, 512, 512), 0, NUM_CLASSES, dtype=jnp.int32)
    label2 = jax.random.randint(k4, (4, 512, 512), 0, NUM_CLASSES, dtype=jnp.int32)
    return {"feat1": feat1, "label1": label1, "feat2": feat2, "label2": label2}


def _resize_nearest(lab, H, W):
    # torch F.interpolate(mode='nearest'): src_idx = floor(dst_idx * in/out)
    h, w = lab.shape[1], lab.shape[2]
    ri = (jnp.arange(H) * h) // H
    ci = (jnp.arange(W) * w) // W
    return lab[:, ri][:, :, ci]


def _l2_normalize(x, axis=1, eps=1e-12):
    n = jnp.sqrt(jnp.sum(x * x, axis=axis, keepdims=True))
    return x / jnp.maximum(n, eps)


def _extract_and_forward(feat1, feat2, label1, label2):
    B, C, H, W = feat1.shape
    l1 = _resize_nearest(label1, H, W)
    l2 = _resize_nearest(label2, H, W)
    f1 = _l2_normalize(feat1, axis=1)
    f2 = _l2_normalize(feat2, axis=1)

    # flatten(start_dim=2).permute(0,2,1) -> [B*HW, C]
    f1 = jnp.transpose(f1.reshape(B, C, H * W), (0, 2, 1)).reshape(B * H * W, C)
    f2 = jnp.transpose(f2.reshape(B, C, H * W), (0, 2, 1)).reshape(B * H * W, C)
    l1 = l1.reshape(-1)
    l2 = l2.reshape(-1)

    # All labels are < NUM_CLASSES by construction, so the valid mask
    # (label != ignore_idx) keeps every pixel; valid_feat == feat.
    n1 = f1.shape[0]
    n2 = f2.shape[0]
    sample_num = min(MAX_VIEWS, n1, n2)

    perm1 = jax.random.permutation(jax.random.key(1), n1)[:sample_num]
    perm1_contr = jax.random.permutation(jax.random.key(2), n1)[:sample_num]
    perm2_contr = jax.random.permutation(jax.random.key(3), n2)[:sample_num]

    anchors = jnp.take(f1, perm1, axis=0)
    a_labels = jnp.take(l1, perm1, axis=0)
    contras = jnp.concatenate([jnp.take(f1, perm1_contr, axis=0), jnp.take(f2, perm2_contr, axis=0)], axis=0)
    c_labels = jnp.concatenate([jnp.take(l1, perm1_contr, axis=0), jnp.take(l2, perm2_contr, axis=0)], axis=0)

    # info_nce
    mask = (a_labels[:, None] == c_labels[None, :]).astype(jnp.float32)
    d = jnp.arange(sample_num)
    mask = mask.at[d, d].set(0.0)  # fill_diagonal_(0.0)
    anchor_dot_contrast = jnp.matmul(anchors, contras.T) / TEMPERATURE
    logits_max = jax.lax.stop_gradient(jnp.max(anchor_dot_contrast, axis=1, keepdims=True))
    logits = anchor_dot_contrast - logits_max
    exp_logits = jnp.exp(logits)
    neg_logits_sum = jnp.sum(exp_logits * (1.0 - mask), axis=1, keepdims=True)
    log_prob = logits - jnp.log(exp_logits + neg_logits_sum)
    mask_sum = jnp.sum(mask, axis=1)
    mask_sum = jnp.where(mask_sum == 0, 1.0, mask_sum)
    mean_log_prob_pos = jnp.sum(mask * log_prob, axis=1) / mask_sum
    return -jnp.mean(mean_log_prob_pos)


def reference(feat1, label1, feat2, label2):
    return _extract_and_forward(feat1, feat2, label1, label2)

if __name__ == "__main__":
    import jax
    _d = setup_inputs()
    print(jax.jit(kernel)(*tuple(_d.values())))

</pallas_src>

<mosaic_0001>
#map = affine_map<(d0, d1) -> (0, 0)>
module attributes {stable_mosaic.version = 14 : i64} {
  func.func @_sc_gather_body(%arg0: i32, %arg1: i32, %arg2: memref<196608x128xf32, #tpu.memory_space<hbm>>, %arg3: memref<196608x128xf32, #tpu.memory_space<hbm>>, %arg4: memref<2048x512xi32, #tpu.memory_space<hbm>>, %arg5: memref<2048x512xi32, #tpu.memory_space<hbm>>, %arg6: memref<32x12288xi32, #tpu.memory_space<hbm>>, %arg7: memref<32x6144xi32, #tpu.memory_space<hbm>>, %arg8: memref<32x1536xi32, #tpu.memory_space<hbm>>, %arg9: memref<32x768xi32, #tpu.memory_space<hbm>>, %arg10: memref<32x1664xi32, #tpu.memory_space<hbm>>, %arg11: memref<32x896xi32, #tpu.memory_space<hbm>>, %arg12: memref<32x768xi32, #tpu.memory_space<hbm>>, %arg13: memref<32x128xi32, #tpu.memory_space<hbm>>, %arg14: memref<1536x512xf32, #tpu.memory_space<hbm>>, %arg15: memref<12288xi32, #tpu.memory_space<vmem>>, %arg16: memref<6144xi32, #tpu.memory_space<vmem>>, %arg17: memref<1536xi32, #tpu.memory_space<vmem>>, %arg18: memref<768xi32, #tpu.memory_space<vmem>>, %arg19: memref<1664xi32, #tpu.memory_space<vmem>>, %arg20: memref<896xi32, #tpu.memory_space<vmem>>, %arg21: memref<768xi32, #tpu.memory_space<vmem>>, %arg22: memref<128xi32, #tpu.memory_space<vmem>>, %arg23: memref<128x128xf32, #tpu.memory_space<vmem>>, %arg24: memref<128x128xf32, #tpu.memory_space<vmem>>, %arg25: memref<128x128xf32, #tpu.memory_space<vmem>>, %arg26: memref<32x512xi32, #tpu.memory_space<vmem>>, %arg27: memref<16x512xi32, #tpu.memory_space<vmem>>, %arg28: memref<24576xf32, #tpu.memory_space<vmem>>, %arg29: memref<!tpu.dma_semaphore, #tpu.memory_space<semaphore_mem>>, %arg30: memref<!tpu.dma_semaphore, #tpu.memory_space<semaphore_mem>>, %arg31: memref<!tpu.dma_semaphore, #tpu.memory_space<semaphore_mem>>, %arg32: memref<!tpu.dma_semaphore, #tpu.memory_space<semaphore_mem>>, %arg33: memref<!tpu.dma_semaphore, #tpu.memory_space<semaphore_mem>>, %arg34: memref<!tpu.dma_semaphore, #tpu.memory_space<semaphore_mem>>) attributes {dimension_semantics = [#tpu.dimension_semantics<core_parallel>, #tpu.dimension_semantics<subcore_parallel>], iteration_bounds = array<i64: 2, 16>, scalar_prefetch = 0 : i64, scratch_operands = 20 : i64, tpu.core_type = #tpu.core_type<sc_vector_subcore>, window_params = [{transform_indices = #map}, {transform_indices = #map}, {transform_indices = #map}, {transform_indices = #map}, {transform_indices = #map}, {transform_indices = #map}, {transform_indices = #map}, {transform_indices = #map}, {transform_indices = #map}, {transform_indices = #map}, {transform_indices = #map}, {transform_indices = #map}, {transform_indices = #map}]} {
    %mul3A = arith.constant 2 : i32
    %mul3A_0 = arith.muli %arg1, %mul3A : i32
    %add3A = arith.addi %mul3A_0, %arg0 : i32
    %iota3A = tpu.iota {dimensions = array<i32: 0>} : vector<16xi32>
    "tpu.region"() ({
      %run_scoped3A = tpu.sem_alloc : memref<!tpu.dma_semaphore, #tpu.memory_space<semaphore_mem>>
      %dma_start3A_113 = arith.constant 0 : i32
      %dma_start3A_114 = tpu.memref_slice %arg6[%add3A, %dma_start3A_113] : memref<32x12288xi32, #tpu.memory_space<hbm>> -> memref<1x12288xi32, #tpu.memory_space<hbm>>
      %dma_start3A_115 = tpu.memref_squeeze %dma_start3A_114 : memref<1x12288xi32, #tpu.memory_space<hbm>> -> memref<12288xi32, #tpu.memory_space<hbm>>
      %dma_start3A_116 = arith.constant 0 : i32
      %dma_start3A_117 = tpu.memref_slice %arg6[%add3A, %dma_start3A_116] : memref<32x12288xi32, #tpu.memory_space<hbm>> -> memref<1x12288xi32, #tpu.memory_space<hbm>>
      %dma_start3A_118 = tpu.memref_squeeze %dma_start3A_117 : memref<1x12288xi32, #tpu.memory_space<hbm>> -> memref<12288xi32, #tpu.memory_space<hbm>>
      tpu.enqueue_dma source(%dma_start3A_118 : memref<12288xi32, #tpu.memory_space<hbm>>) target(%arg15 : memref<12288xi32, #tpu.memory_space<vmem>>) target_semaphore(%run_scoped3A : memref<!tpu.dma_semaphore, #tpu.memory_space<semaphore_mem>>)
      %dma_wait3A_119 = arith.constant 0 : i32
      %dma_wait3A_120 = tpu.memref_slice %arg6[%add3A, %dma_wait3A_119] : memref<32x12288xi32, #tpu.memory_space<hbm>> -> memref<1x12288xi32, #tpu.memory_space<hbm>>
      %dma_wait3A_121 = tpu.memref_squeeze %dma_wait3A_120 : memref<1x12288xi32, #tpu.memory_space<hbm>> -> memref<12288xi32, #tpu.memory_space<hbm>>
      %dma_wait3A_122 = arith.constant 0 : i32
      %dma_wait3A_123 = tpu.memref_slice %arg6[%add3A, %dma_wait3A_122] : memref<32x12288xi32, #tpu.memory_space<hbm>> -> memref<1x12288xi32, #tpu.memory_space<hbm>>
      %dma_wait3A_124 = tpu.memref_squeeze %dma_wait3A_123 : memref<1x12288xi32, #tpu.memory_space<hbm>> -> memref<12288xi32, #tpu.memory_space<hbm>>
      tpu.wait_dma2 semaphore(%run_scoped3A : memref<!tpu.dma_semaphore, #tpu.memory_space<semaphore_mem>>) src(%dma_wait3A_124 : memref<12288xi32, #tpu.memory_space<hbm>>) dst(%arg15 : memref<12288xi32, #tpu.memory_space<vmem>>)
      tpu.yield
    }) : () -> ()
    "tpu.region"() ({
      %run_scoped3A = tpu.sem_alloc : memref<!tpu.dma_semaphore, #tpu.memory_space<semaphore_mem>>
      %dma_start3A_113 = arith.constant 0 : i32
      %dma_start3A_114 = tpu.memref_slice %arg7[%add3A, %dma_start3A_113] : memref<32x6144xi32, #tpu.memory_space<hbm>> -> memref<1x6144xi32, #tpu.memory_space<hbm>>
      %dma_start3A_115 = tpu.memref_squeeze %dma_start3A_114 : memref<1x6144xi32, #tpu.memory_space<hbm>> -> memref<6144xi32, #tpu.memory_space<hbm>>
      %dma_start3A_116 = arith.constant 0 : i32
      %dma_start3A_117 = tpu.memref_slice %arg7[%add3A, %dma_start3A_116] : memref<32x6144xi32, #tpu.memory_space<hbm>> -> memref<1x6144xi32, #tpu.memory_space<hbm>>
      %dma_start3A_118 = tpu.memref_squeeze %dma_start3A_117 : memref<1x6144xi32, #tpu.memory_space<hbm>> -> memref<6144xi32, #tpu.memory_space<hbm>>
      tpu.enqueue_dma source(%dma_start3A_118 : memref<6144xi32, #tpu.memory_space<hbm>>) target(%arg16 : memref<6144xi32, #tpu.memory_space<vmem>>) target_semaphore(%run_scoped3A : memref<!tpu.dma_semaphore, #tpu.memory_space<semaphore_mem>>)
      %dma_wait3A_119 = arith.constant 0 : i32
      %dma_wait3A_120 = tpu.memref_slice %arg7[%add3A, %dma_wait3A_119] : memref<32x6144xi32, #tpu.memory_space<hbm>> -> memref<1x6144xi32, #tpu.memory_space<hbm>>
      %dma_wait3A_121 = tpu.memref_squeeze %dma_wait3A_120 : memref<1x6144xi32, #tpu.memory_space<hbm>> -> memref<6144xi32, #tpu.memory_space<hbm>>
      %dma_wait3A_122 = arith.constant 0 : i32
      %dma_wait3A_123 = tpu.memref_slice %arg7[%add3A, %dma_wait3A_122] : memref<32x6144xi32, #tpu.memory_space<hbm>> -> memref<1x6144xi32, #tpu.memory_space<hbm>>
      %dma_wait3A_124 = tpu.memref_squeeze %dma_wait3A_123 : memref<1x6144xi32, #tpu.memory_space<hbm>> -> memref<6144xi32, #tpu.memory_space<hbm>>
      tpu.wait_dma2 semaphore(%run_scoped3A : memref<!tpu.dma_semaphore, #tpu.memory_space<semaphore_mem>>) src(%dma_wait3A_124 : memref<6144xi32, #tpu.memory_space<hbm>>) dst(%arg16 : memref<6144xi32, #tpu.memory_space<vmem>>)
      tpu.yield
    }) : () -> ()
    "tpu.region"() ({
      %run_scoped3A = tpu.sem_alloc : memref<!tpu.dma_semaphore, #tpu.memory_space<semaphore_mem>>
      %dma_start3A_113 = arith.constant 0 : i32
      %dma_start3A_114 = tpu.memref_slice %arg8[%add3A, %dma_start3A_113] : memref<32x1536xi32, #tpu.memory_space<hbm>> -> memref<1x1536xi32, #tpu.memory_space<hbm>>
      %dma_start3A_115 = tpu.memref_squeeze %dma_start3A_114 : memref<1x1536xi32, #tpu.memory_space<hbm>> -> memref<1536xi32, #tpu.memory_space<hbm>>
      %dma_start3A_116 = arith.constant 0 : i32
      %dma_start3A_117 = tpu.memref_slice %arg8[%add3A, %dma_start3A_116] : memref<32x1536xi32, #tpu.memory_space<hbm>> -> memref<1x1536xi32, #tpu.memory_space<hbm>>
      %dma_start3A_118 = tpu.memref_squeeze %dma_start3A_117 : memref<1x1536xi32, #tpu.memory_space<hbm>> -> memref<1536xi32, #tpu.memory_space<hbm>>
      tpu.enqueue_dma source(%dma_start3A_118 : memref<1536xi32, #tpu.memory_space<hbm>>) target(%arg17 : memref<1536xi32, #tpu.memory_space<vmem>>) target_semaphore(%run_scoped3A : memref<!tpu.dma_semaphore, #tpu.memory_space<semaphore_mem>>)
      %dma_wait3A_119 = arith.constant 0 : i32
      %dma_wait3A_120 = tpu.memref_slice %arg8[%add3A, %dma_wait3A_119] : memref<32x1536xi32, #tpu.memory_space<hbm>> -> memref<1x1536xi32, #tpu.memory_space<hbm>>
      %dma_wait3A_121 = tpu.memref_squeeze %dma_wait3A_120 : memref<1x1536xi32, #tpu.memory_space<hbm>> -> memref<1536xi32, #tpu.memory_space<hbm>>
      %dma_wait3A_122 = arith.constant 0 : i32
      %dma_wait3A_123 = tpu.memref_slice %arg8[%add3A, %dma_wait3A_122] : memref<32x1536xi32, #tpu.memory_space<hbm>> -> memref<1x1536xi32, #tpu.memory_space<hbm>>
      %dma_wait3A_124 = tpu.memref_squeeze %dma_wait3A_123 : memref<1x1536xi32, #tpu.memory_space<hbm>> -> memref<1536xi32, #tpu.memory_space<hbm>>
      tpu.wait_dma2 semaphore(%run_scoped3A : memref<!tpu.dma_semaphore, #tpu.memory_space<semaphore_mem>>) src(%dma_wait3A_124 : memref<1536xi32, #tpu.memory_space<hbm>>) dst(%arg17 : memref<1536xi32, #tpu.memory_space<vmem>>)
      tpu.yield
    }) : () -> ()
    "tpu.region"() ({
      %run_scoped3A = tpu.sem_alloc : memref<!tpu.dma_semaphore, #tpu.memory_space<semaphore_mem>>
      %dma_start3A_113 = arith.constant 0 : i32
      %dma_start3A_114 = tpu.memref_slice %arg9[%add3A, %dma_start3A_113] : memref<32x768xi32, #tpu.memory_space<hbm>> -> memref<1x768xi32, #tpu.memory_space<hbm>>
      %dma_start3A_115 = tpu.memref_squeeze %dma_start3A_114 : memref<1x768xi32, #tpu.memory_space<hbm>> -> memref<768xi32, #tpu.memory_space<hbm>>
      %dma_start3A_116 = arith.constant 0 : i32
      %dma_start3A_117 = tpu.memref_slice %arg9[%add3A, %dma_start3A_116] : memref<32x768xi32, #tpu.memory_space<hbm>> -> memref<1x768xi32, #tpu.memory_space<hbm>>
      %dma_start3A_118 = tpu.memref_squeeze %dma_start3A_117 : memref<1x768xi32, #tpu.memory_space<hbm>> -> memref<768xi32, #tpu.memory_space<hbm>>
      tpu.enqueue_dma source(%dma_start3A_118 : memref<768xi32, #tpu.memory_space<hbm>>) target(%arg18 : memref<768xi32, #tpu.memory_space<vmem>>) target_semaphore(%run_scoped3A : memref<!tpu.dma_semaphore, #tpu.memory_space<semaphore_mem>>)
      %dma_wait3A_119 = arith.constant 0 : i32
      %dma_wait3A_120 = tpu.memref_slice %arg9[%add3A, %dma_wait3A_119] : memref<32x768xi32, #tpu.memory_space<hbm>> -> memref<1x768xi32, #tpu.memory_space<hbm>>
      %dma_wait3A_121 = tpu.memref_squeeze %dma_wait3A_120 : memref<1x768xi32, #tpu.memory_space<hbm>> -> memref<768xi32, #tpu.memory_space<hbm>>
      %dma_wait3A_122 = arith.constant 0 : i32
      %dma_wait3A_123 = tpu.memref_slice %arg9[%add3A, %dma_wait3A_122] : memref<32x768xi32, #tpu.memory_space<hbm>> -> memref<1x768xi32, #tpu.memory_space<hbm>>
      %dma_wait3A_124 = tpu.memref_squeeze %dma_wait3A_123 : memref<1x768xi32, #tpu.memory_space<hbm>> -> memref<768xi32, #tpu.memory_space<hbm>>
      tpu.wait_dma2 semaphore(%run_scoped3A : memref<!tpu.dma_semaphore, #tpu.memory_space<semaphore_mem>>) src(%dma_wait3A_124 : memref<768xi32, #tpu.memory_space<hbm>>) dst(%arg18 : memref<768xi32, #tpu.memory_space<vmem>>)
      tpu.yield
    }) : () -> ()
    "tpu.region"() ({
      %run_scoped3A = tpu.sem_alloc : memref<!tpu.dma_semaphore, #tpu.memory_space<semaphore_mem>>
      %dma_start3A_113 = arith.constant 0 : i32
      %dma_start3A_114 = tpu.memref_slice %arg10[%add3A, %dma_start3A_113] : memref<32x1664xi32, #tpu.memory_space<hbm>> -> memref<1x1664xi32, #tpu.memory_space<hbm>>
      %dma_start3A_115 = tpu.memref_squeeze %dma_start3A_114 : memref<1x1664xi32, #tpu.memory_space<hbm>> -> memref<1664xi32, #tpu.memory_space<hbm>>
      %dma_start3A_116 = arith.constant 0 : i32
      %dma_start3A_117 = tpu.memref_slice %arg10[%add3A, %dma_start3A_116] : memref<32x1664xi32, #tpu.memory_space<hbm>> -> memref<1x1664xi32, #tpu.memory_space<hbm>>
      %dma_start3A_118 = tpu.memref_squeeze %dma_start3A_117 : memref<1x1664xi32, #tpu.memory_space<hbm>> -> memref<1664xi32, #tpu.memory_space<hbm>>
      tpu.enqueue_dma source(%dma_start3A_118 : memref<1664xi32, #tpu.memory_space<hbm>>) target(%arg19 : memref<1664xi32, #tpu.memory_space<vmem>>) target_semaphore(%run_scoped3A : memref<!tpu.dma_semaphore, #tpu.memory_space<semaphore_mem>>)
      %dma_wait3A_119 = arith.constant 0 : i32
      %dma_wait3A_120 = tpu.memref_slice %arg10[%add3A, %dma_wait3A_119] : memref<32x1664xi32, #tpu.memory_space<hbm>> -> memref<1x1664xi32, #tpu.memory_space<hbm>>
      %dma_wait3A_121 = tpu.memref_squeeze %dma_wait3A_120 : memref<1x1664xi32, #tpu.memory_space<hbm>> -> memref<1664xi32, #tpu.memory_space<hbm>>
      %dma_wait3A_122 = arith.constant 0 : i32
      %dma_wait3A_123 = tpu.memref_slice %arg10[%add3A, %dma_wait3A_122] : memref<32x1664xi32, #tpu.memory_space<hbm>> -> memref<1x1664xi32, #tpu.memory_space<hbm>>
      %dma_wait3A_124 = tpu.memref_squeeze %dma_wait3A_123 : memref<1x1664xi32, #tpu.memory_space<hbm>> -> memref<1664xi32, #tpu.memory_space<hbm>>
      tpu.wait_dma2 semaphore(%run_scoped3A : memref<!tpu.dma_semaphore, #tpu.memory_space<semaphore_mem>>) src(%dma_wait3A_124 : memref<1664xi32, #tpu.memory_space<hbm>>) dst(%arg19 : memref<1664xi32, #tpu.memory_space<vmem>>)
      tpu.yield
    }) : () -> ()
    "tpu.region"() ({
      %run_scoped3A = tpu.sem_alloc : memref<!tpu.dma_semaphore, #tpu.memory_space<semaphore_mem>>
      %dma_start3A_113 = arith.constant 0 : i32
      %dma_start3A_114 = tpu.memref_slice %arg11[%add3A, %dma_start3A_113] : memref<32x896xi32, #tpu.memory_space<hbm>> -> memref<1x896xi32, #tpu.memory_space<hbm>>
      %dma_start3A_115 = tpu.memref_squeeze %dma_start3A_114 : memref<1x896xi32, #tpu.memory_space<hbm>> -> memref<896xi32, #tpu.memory_space<hbm>>
      %dma_start3A_116 = arith.constant 0 : i32
      %dma_start3A_117 = tpu.memref_slice %arg11[%add3A, %dma_start3A_116] : memref<32x896xi32, #tpu.memory_space<hbm>> -> memref<1x896xi32, #tpu.memory_space<hbm>>
      %dma_start3A_118 = tpu.memref_squeeze %dma_start3A_117 : memref<1x896xi32, #tpu.memory_space<hbm>> -> memref<896xi32, #tpu.memory_space<hbm>>
      tpu.enqueue_dma source(%dma_start3A_118 : memref<896xi32, #tpu.memory_space<hbm>>) target(%arg20 : memref<896xi32, #tpu.memory_space<vmem>>) target_semaphore(%run_scoped3A : memref<!tpu.dma_semaphore, #tpu.memory_space<semaphore_mem>>)
      %dma_wait3A_119 = arith.constant 0 : i32
      %dma_wait3A_120 = tpu.memref_slice %arg11[%add3A, %dma_wait3A_119] : memref<32x896xi32, #tpu.memory_space<hbm>> -> memref<1x896xi32, #tpu.memory_space<hbm>>
      %dma_wait3A_121 = tpu.memref_squeeze %dma_wait3A_120 : memref<1x896xi32, #tpu.memory_space<hbm>> -> memref<896xi32, #tpu.memory_space<hbm>>
      %dma_wait3A_122 = arith.constant 0 : i32
      %dma_wait3A_123 = tpu.memref_slice %arg11[%add3A, %dma_wait3A_122] : memref<32x896xi32, #tpu.memory_space<hbm>> -> memref<1x896xi32, #tpu.memory_space<hbm>>
      %dma_wait3A_124 = tpu.memref_squeeze %dma_wait3A_123 : memref<1x896xi32, #tpu.memory_space<hbm>> -> memref<896xi32, #tpu.memory_space<hbm>>
      tpu.wait_dma2 semaphore(%run_scoped3A : memref<!tpu.dma_semaphore, #tpu.memory_space<semaphore_mem>>) src(%dma_wait3A_124 : memref<896xi32, #tpu.memory_space<hbm>>) dst(%arg20 : memref<896xi32, #tpu.memory_space<vmem>>)
      tpu.yield
    }) : () -> ()
    "tpu.region"() ({
      %run_scoped3A = tpu.sem_alloc : memref<!tpu.dma_semaphore, #tpu.memory_space<semaphore_mem>>
      %dma_start3A_113 = arith.constant 0 : i32
      %dma_start3A_114 = tpu.memref_slice %arg12[%add3A, %dma_start3A_113] : memref<32x768xi32, #tpu.memory_space<hbm>> -> memref<1x768xi32, #tpu.memory_space<hbm>>
      %dma_start3A_115 = tpu.memref_squeeze %dma_start3A_114 : memref<1x768xi32, #tpu.memory_space<hbm>> -> memref<768xi32, #tpu.memory_space<hbm>>
      %dma_start3A_116 = arith.constant 0 : i32
      %dma_start3A_117 = tpu.memref_slice %arg12[%add3A, %dma_start3A_116] : memref<32x768xi32, #tpu.memory_space<hbm>> -> memref<1x768xi32, #tpu.memory_space<hbm>>
      %dma_start3A_118 = tpu.memref_squeeze %dma_start3A_117 : memref<1x768xi32, #tpu.memory_space<hbm>> -> memref<768xi32, #tpu.memory_space<hbm>>
      tpu.enqueue_dma source(%dma_start3A_118 : memref<768xi32, #tpu.memory_space<hbm>>) target(%arg21 : memref<768xi32, #tpu.memory_space<vmem>>) target_semaphore(%run_scoped3A : memref<!tpu.dma_semaphore, #tpu.memory_space<semaphore_mem>>)
      %dma_wait3A_119 = arith.constant 0 : i32
      %dma_wait3A_120 = tpu.memref_slice %arg12[%add3A, %dma_wait3A_119] : memref<32x768xi32, #tpu.memory_space<hbm>> -> memref<1x768xi32, #tpu.memory_space<hbm>>
      %dma_wait3A_121 = tpu.memref_squeeze %dma_wait3A_120 : memref<1x768xi32, #tpu.memory_space<hbm>> -> memref<768xi32, #tpu.memory_space<hbm>>
      %dma_wait3A_122 = arith.constant 0 : i32
      %dma_wait3A_123 = tpu.memref_slice %arg12[%add3A, %dma_wait3A_122] : memref<32x768xi32, #tpu.memory_space<hbm>> -> memref<1x768xi32, #tpu.memory_space<hbm>>
      %dma_wait3A_124 = tpu.memref_squeeze %dma_wait3A_123 : memref<1x768xi32, #tpu.memory_space<hbm>> -> memref<768xi32, #tpu.memory_space<hbm>>
      tpu.wait_dma2 semaphore(%run_scoped3A : memref<!tpu.dma_semaphore, #tpu.memory_space<semaphore_mem>>) src(%dma_wait3A_124 : memref<768xi32, #tpu.memory_space<hbm>>) dst(%arg21 : memref<768xi32, #tpu.memory_space<vmem>>)
      tpu.yield
    }) : () -> ()
    "tpu.region"() ({
      %run_scoped3A = tpu.sem_alloc : memref<!tpu.dma_semaphore, #tpu.memory_space<semaphore_mem>>
      %dma_start3A_113 = arith.constant 0 : i32
      %dma_start3A_114 = tpu.memref_slice %arg13[%add3A, %dma_start3A_113] : memref<32x128xi32, #tpu.memory_space<hbm>> -> memref<1x128xi32, #tpu.memory_space<hbm>>
      %dma_start3A_115 = tpu.memref_squeeze %dma_start3A_114 : memref<1x128xi32, #tpu.memory_space<hbm>> -> memref<128xi32, #tpu.memory_space<hbm>>
      %dma_start3A_116 = arith.constant 0 : i32
      %dma_start3A_117 = tpu.memref_slice %arg13[%add3A, %dma_start3A_116] : memref<32x128xi32, #tpu.memory_space<hbm>> -> memref<1x128xi32, #tpu.memory_space<hbm>>
      %dma_start3A_118 = tpu.memref_squeeze %dma_start3A_117 : memref<1x128xi32, #tpu.memory_space<hbm>> -> memref<128xi32, #tpu.memory_space<hbm>>
      tpu.enqueue_dma source(%dma_start3A_118 : memref<128xi32, #tpu.memory_space<hbm>>) target(%arg22 : memref<128xi32, #tpu.memory_space<vmem>>) target_semaphore(%run_scoped3A : memref<!tpu.dma_semaphore, #tpu.memory_space<semaphore_mem>>)
      %dma_wait3A_119 = arith.constant 0 : i32
      %dma_wait3A_120 = tpu.memref_slice %arg13[%add3A, %dma_wait3A_119] : memref<32x128xi32, #tpu.memory_space<hbm>> -> memref<1x128xi32, #tpu.memory_space<hbm>>
      %dma_wait3A_121 = tpu.memref_squeeze %dma_wait3A_120 : memref<1x128xi32, #tpu.memory_space<hbm>> -> memref<128xi32, #tpu.memory_space<hbm>>
      %dma_wait3A_122 = arith.constant 0 : i32
      %dma_wait3A_123 = tpu.memref_slice %arg13[%add3A, %dma_wait3A_122] : memref<32x128xi32, #tpu.memory_space<hbm>> -> memref<1x128xi32, #tpu.memory_space<hbm>>
      %dma_wait3A_124 = tpu.memref_squeeze %dma_wait3A_123 : memref<1x128xi32, #tpu.memory_space<hbm>> -> memref<128xi32, #tpu.memory_space<hbm>>
      tpu.wait_dma2 semaphore(%run_scoped3A : memref<!tpu.dma_semaphore, #tpu.memory_space<semaphore_mem>>) src(%dma_wait3A_124 : memref<128xi32, #tpu.memory_space<hbm>>) dst(%arg22 : memref<128xi32, #tpu.memory_space<vmem>>)
      tpu.yield
    }) : () -> ()
    %dma_start3A = arith.constant 0 : i32
    %dma_start3A_1 = tpu.memref_slice %arg22[%dma_start3A] : memref<128xi32, #tpu.memory_space<vmem>> -> memref<32xi32, #tpu.memory_space<vmem>>
    %dma_start3A_2 = arith.constant 0 : i32
    %dma_start3A_3 = arith.constant 0 : i32
    %dma_start3A_4 = tpu.memref_slice %arg4[%dma_start3A_2, %dma_start3A_3] : memref<2048x512xi32, #tpu.memory_space<hbm>> -> memref<2048x512xi32, #tpu.memory_space<hbm>>
    tpu.enqueue_indirect_dma source(%dma_start3A_4 : memref<2048x512xi32, #tpu.memory_space<hbm>>) target(%arg26 : memref<32x512xi32, #tpu.memory_space<vmem>>) offsets(%dma_start3A_1 : memref<32xi32, #tpu.memory_space<vmem>>) semaphore(%arg32 : memref<!tpu.dma_semaphore, #tpu.memory_space<semaphore_mem>>)
    %dma_start3A_5 = arith.constant 32 : i32
    %dma_start3A_6 = tpu.memref_slice %arg22[%dma_start3A_5] : memref<128xi32, #tpu.memory_space<vmem>> -> memref<16xi32, #tpu.memory_space<vmem>>
    %dma_start3A_7 = arith.constant 0 : i32
    %dma_start3A_8 = arith.constant 0 : i32
    %dma_start3A_9 = tpu.memref_slice %arg5[%dma_start3A_7, %dma_start3A_8] : memref<2048x512xi32, #tpu.memory_space<hbm>> -> memref<2048x512xi32, #tpu.memory_space<hbm>>
    tpu.enqueue_indirect_dma source(%dma_start3A_9 : memref<2048x512xi32, #tpu.memory_space<hbm>>) target(%arg27 : memref<16x512xi32, #tpu.memory_space<vmem>>) offsets(%dma_start3A_6 : memref<16xi32, #tpu.memory_space<vmem>>) semaphore(%arg33 : memref<!tpu.dma_semaphore, #tpu.memory_space<semaphore_mem>>)
    %dma_wait3A = arith.constant 0 : i32
    %dma_wait3A_10 = tpu.memref_slice %arg22[%dma_wait3A] : memref<128xi32, #tpu.memory_space<vmem>> -> memref<32xi32, #tpu.memory_space<vmem>>
    %dma_wait3A_11 = arith.constant 0 : i32
    %dma_wait3A_12 = arith.constant 0 : i32
    %dma_wait3A_13 = tpu.memref_slice %arg4[%dma_wait3A_11, %dma_wait3A_12] : memref<2048x512xi32, #tpu.memory_space<hbm>> -> memref<2048x512xi32, #tpu.memory_space<hbm>>
    tpu.wait_indirect_dma semaphore(%arg32 : memref<!tpu.dma_semaphore, #tpu.memory_space<semaphore_mem>>) src(%dma_wait3A_13 : memref<2048x512xi32, #tpu.memory_space<hbm>>) dst(%arg26 : memref<32x512xi32, #tpu.memory_space<vmem>>)
    %dma_wait3A_14 = arith.constant 32 : i32
    %dma_wait3A_15 = tpu.memref_slice %arg22[%dma_wait3A_14] : memref<128xi32, #tpu.memory_space<vmem>> -> memref<16xi32, #tpu.memory_space<vmem>>
    %dma_wait3A_16 = arith.constant 0 : i32
    %dma_wait3A_17 = arith.constant 0 : i32
    %dma_wait3A_18 = tpu.memref_slice %arg5[%dma_wait3A_16, %dma_wait3A_17] : memref<2048x512xi32, #tpu.memory_space<hbm>> -> memref<2048x512xi32, #tpu.memory_space<hbm>>
    tpu.wait_indirect_dma semaphore(%arg33 : memref<!tpu.dma_semaphore, #tpu.memory_space<semaphore_mem>>) src(%dma_wait3A_18 : memref<2048x512xi32, #tpu.memory_space<hbm>>) dst(%arg27 : memref<16x512xi32, #tpu.memory_space<vmem>>)
    %get3A = arith.constant 48 : index
    %get3A_19 = tpu.vector_load %arg22[%get3A] {strides = array<i32>} : memref<128xi32, #tpu.memory_space<vmem>>, vector<16xi32>,
    %add3A_20 = arith.constant 0 : i32
    %add3A_21 = vector.broadcast %add3A_20 : i32 to vector<16xi32>
    %add3A_22 = arith.addi %add3A_21, %iota3A : vector<16xi32>
    %gather3A = tpu.vector_load_idx %arg26[%add3A_22, %get3A_19] : memref<32x512xi32, #tpu.memory_space<vmem>>[vector<16xi32>, vector<16xi32>], vector<16xi32>,
    %add3A_23 = arith.constant 0 : i32
    %add3A_24 = vector.broadcast %add3A_23 : i32 to vector<16xi32>
    %add3A_25 = arith.addi %add3A_24, %iota3A : vector<16xi32>
    %mul3A_26 = arith.constant 512 : i32
    %mul3A_27 = vector.broadcast %mul3A_26 : i32 to vector<16xi32>
    %mul3A_28 = arith.muli %add3A_25, %mul3A_27 : vector<16xi32>
    %add3A_29 = arith.constant 384 : i32
    %add3A_30 = vector.broadcast %add3A_29 : i32 to vector<16xi32>
    %add3A_31 = arith.addi %mul3A_28, %add3A_30 : vector<16xi32>
    %convert_element_type3A = arith.sitofp %gather3A : vector<16xi32> to vector<16xf32>
    tpu.vector_store_idx %arg28[%add3A_31], %convert_element_type3A : memref<24576xf32, #tpu.memory_space<vmem>>[vector<16xi32>], vector<16xf32>,
    %get3A_32 = arith.constant 64 : index
    %get3A_33 = tpu.vector_load %arg22[%get3A_32] {strides = array<i32>} : memref<128xi32, #tpu.memory_space<vmem>>, vector<16xi32>,
    %add3A_34 = arith.constant 16 : i32
    %add3A_35 = vector.broadcast %add3A_34 : i32 to vector<16xi32>
    %add3A_36 = arith.addi %add3A_35, %iota3A : vector<16xi32>
    %gather3A_37 = tpu.vector_load_idx %arg26[%add3A_36, %get3A_33] : memref<32x512xi32, #tpu.memory_space<vmem>>[vector<16xi32>, vector<16xi32>], vector<16xi32>,
    %add3A_38 = arith.constant 16 : i32
    %add3A_39 = vector.broadcast %add3A_38 : i32 to vector<16xi32>
    %add3A_40 = arith.addi %add3A_39, %iota3A : vector<16xi32>
    %mul3A_41 = arith.constant 512 : i32
    %mul3A_42 = vector.broadcast %mul3A_41 : i32 to vector<16xi32>
    %mul3A_43 = arith.muli %add3A_40, %mul3A_42 : vector<16xi32>
    %add3A_44 = arith.constant 384 : i32
    %add3A_45 = vector.broadcast %add3A_44 : i32 to vector<16xi32>
    %add3A_46 = arith.addi %mul3A_43, %add3A_45 : vector<16xi32>
    %convert_element_type3A_47 = arith.sitofp %gather3A_37 : vector<16xi32> to vector<16xf32>
    tpu.vector_store_idx %arg28[%add3A_46], %convert_element_type3A_47 : memref<24576xf32, #tpu.memory_space<vmem>>[vector<16xi32>], vector<16xf32>,
    %get3A_48 = arith.constant 80 : index
    %get3A_49 = tpu.vector_load %arg22[%get3A_48] {strides = array<i32>} : memref<128xi32, #tpu.memory_space<vmem>>, vector<16xi32>,
    %add3A_50 = arith.constant 0 : i32
    %add3A_51 = vector.broadcast %add3A_50 : i32 to vector<16xi32>
    %add3A_52 = arith.addi %add3A_51, %iota3A : vector<16xi32>
    %gather3A_53 = tpu.vector_load_idx %arg27[%add3A_52, %get3A_49] : memref<16x512xi32, #tpu.memory_space<vmem>>[vector<16xi32>, vector<16xi32>], vector<16xi32>,
    %add3A_54 = arith.constant 32 : i32
    %add3A_55 = vector.broadcast %add3A_54 : i32 to vector<16xi32>
    %add3A_56 = arith.addi %add3A_55, %iota3A : vector<16xi32>
    %mul3A_57 = arith.constant 512 : i32
    %mul3A_58 = vector.broadcast %mul3A_57 : i32 to vector<16xi32>
    %mul3A_59 = arith.muli %add3A_56, %mul3A_58 : vector<16xi32>
    %add3A_60 = arith.constant 384 : i32
    %add3A_61 = vector.broadcast %add3A_60 : i32 to vector<16xi32>
    %add3A_62 = arith.addi %mul3A_59, %add3A_61 : vector<16xi32>
    %convert_element_type3A_63 = arith.sitofp %gather3A_53 : vector<16xi32> to vector<16xf32>
    tpu.vector_store_idx %arg28[%add3A_62], %convert_element_type3A_63 : memref<24576xf32, #tpu.memory_space<vmem>>[vector<16xi32>], vector<16xf32>,
    %get3A_64 = arith.constant 0 : index
    %get3A_65 = tpu.vector_load %arg19[%get3A_64] {strides = array<i32>} : memref<1664xi32, #tpu.memory_space<vmem>>, vector<16xi32>,
    %slice3A = vector.extract_strided_slice %get3A_65 {offsets = [0], sizes = [1], strides = [1]} : vector<16xi32> to vector<1xi32>
    %squeeze3A = vector.extract %slice3A[0] : i32 from vector<1xi32>
    %gt3A = arith.constant 0 : i32
    %gt3A_66 = arith.cmpi sgt, %squeeze3A, %gt3A : i32
    %convert_element_type3A_67 = arith.extui %gt3A_66 : i1 to i32
    %cond3A = arith.constant 0 : i32
    %cond3A_68 = arith.cmpi ne, %convert_element_type3A_67, %cond3A : i32
    scf.if %cond3A_68 {
      %dma_start3A_113 = arith.constant 0 : i32
      %dma_start3A_114 = tpu.memref_slice %arg15[%dma_start3A_113] : memref<12288xi32, #tpu.memory_space<vmem>> -> memref<128xi32, #tpu.memory_space<vmem>>
      %dma_start3A_115 = arith.constant 0 : i32
      %dma_start3A_116 = arith.constant 0 : i32
      %dma_start3A_117 = tpu.memref_slice %arg2[%dma_start3A_115, %dma_start3A_116] : memref<196608x128xf32, #tpu.memory_space<hbm>> -> memref<196608x128xf32, #tpu.memory_space<hbm>>
      tpu.enqueue_indirect_dma source(%dma_start3A_117 : memref<196608x128xf32, #tpu.memory_space<hbm>>) target(%arg23 : memref<128x128xf32, #tpu.memory_space<vmem>>) offsets(%dma_start3A_114 : memref<128xi32, #tpu.memory_space<vmem>>) semaphore(%arg29 : memref<!tpu.dma_semaphore, #tpu.memory_space<semaphore_mem>>)
    } else {
    }
    %get3A_69 = arith.constant 16 : index
    %get3A_70 = tpu.vector_load %arg19[%get3A_69] {strides = array<i32>} : memref<1664xi32, #tpu.memory_space<vmem>>, vector<16xi32>,
    %slice3A_71 = vector.extract_strided_slice %get3A_70 {offsets = [0], sizes = [1], strides = [1]} : vector<16xi32> to vector<1xi32>
    %squeeze3A_72 = vector.extract %slice3A_71[0] : i32 from vector<1xi32>
    %gt3A_73 = arith.constant 0 : i32
    %gt3A_74 = arith.cmpi sgt, %squeeze3A_72, %gt3A_73 : i32
    %convert_element_type3A_75 = arith.extui %gt3A_74 : i1 to i32
    %cond3A_76 = arith.constant 0 : i32
    %cond3A_77 = arith.cmpi ne, %convert_element_type3A_75, %cond3A_76 : i32
    scf.if %cond3A_77 {
      %dma_start3A_113 = arith.constant 128 : i32
      %dma_start3A_114 = tpu.memref_slice %arg15[%dma_start3A_113] : memref<12288xi32, #tpu.memory_space<vmem>> -> memref<128xi32, #tpu.memory_space<vmem>>
      %dma_start3A_115 = arith.constant 0 : i32
      %dma_start3A_116 = arith.constant 0 : i32
      %dma_start3A_117 = tpu.memref_slice %arg2[%dma_start3A_115, %dma_start3A_116] : memref<196608x128xf32, #tpu.memory_space<hbm>> -> memref<196608x128xf32, #tpu.memory_space<hbm>>
      tpu.enqueue_indirect_dma source(%dma_start3A_117 : memref<196608x128xf32, #tpu.memory_space<hbm>>) target(%arg24 : memref<128x128xf32, #tpu.memory_space<vmem>>) offsets(%dma_start3A_114 : memref<128xi32, #tpu.memory_space<vmem>>) semaphore(%arg30 : memref<!tpu.dma_semaphore, #tpu.memory_space<semaphore_mem>>)
    } else {
    }
    %scan3A = arith.constant 0 : i32
    %scan3A_78 = arith.constant 0 : i32
    %scan3A_79 = arith.constant 32 : i32
    %scan3A_80 = arith.addi %scan3A_78, %scan3A_79 : i32
    %scan3A_81 = arith.constant 1 : i32
    scf.for %scan3A_113 = %scan3A_78 to %scan3A_80 step %scan3A_81  : i32 {
      %mul3A_114 = arith.constant 3 : i32
      %mul3A_115 = arith.muli %scan3A_113, %mul3A_114 : i32
      %add3A_116 = arith.constant 0 : i32
      %add3A_117 = arith.addi %mul3A_115, %add3A_116 : i32
      %add3A_118 = arith.constant 2 : i32
      %add3A_119 = arith.addi %add3A_117, %add3A_118 : i32
      %mul3A_120 = arith.constant 16 : i32
      %mul3A_121 = arith.muli %add3A_119, %mul3A_120 : i32
      %get3A_122 = arith.index_cast %mul3A_121 : i32 to index
      %get3A_123 = tpu.vector_load %arg19[%get3A_122] {strides = array<i32>} : memref<1664xi32, #tpu.memory_space<vmem>>, vector<16xi32>,
      %slice3A_124 = vector.extract_strided_slice %get3A_123 {offsets = [0], sizes = [1], strides = [1]} : vector<16xi32> to vector<1xi32>
      %squeeze3A_125 = vector.extract %slice3A_124[0] : i32 from vector<1xi32>
      %gt3A_126 = arith.constant 0 : i32
      %gt3A_127 = arith.cmpi sgt, %squeeze3A_125, %gt3A_126 : i32
      %convert_element_type3A_128 = arith.extui %gt3A_127 : i1 to i32
      %cond3A_129 = arith.constant 0 : i32
      %cond3A_130 = arith.cmpi ne, %convert_element_type3A_128, %cond3A_129 : i32
      scf.if %cond3A_130 {
        %mul3A_262 = arith.constant 128 : i32
        %mul3A_263 = arith.muli %add3A_119, %mul3A_262 : i32
        %dma_start3A_264 = tpu.memref_slice %arg15[%mul3A_263] : memref<12288xi32, #tpu.memory_space<vmem>> -> memref<128xi32, #tpu.memory_space<vmem>>
        %dma_start3A_265 = arith.constant 0 : i32
        %dma_start3A_266 = arith.constant 0 : i32
        %dma_start3A_267 = tpu.memref_slice %arg2[%dma_start3A_265, %dma_start3A_266] : memref<196608x128xf32, #tpu.memory_space<hbm>> -> memref<196608x128xf32, #tpu.memory_space<hbm>>
        tpu.enqueue_indirect_dma source(%dma_start3A_267 : memref<196608x128xf32, #tpu.memory_space<hbm>>) target(%arg25 : memref<128x128xf32, #tpu.memory_space<vmem>>) offsets(%dma_start3A_264 : memref<128xi32, #tpu.memory_space<vmem>>) semaphore(%arg31 : memref<!tpu.dma_semaphore, #tpu.memory_space<semaphore_mem>>)
      } else {
      }
      %mul3A_131 = arith.constant 16 : i32
      %mul3A_132 = arith.muli %add3A_117, %mul3A_131 : i32
      %get3A_133 = arith.index_cast %mul3A_132 : i32 to index
      %get3A_134 = tpu.vector_load %arg19[%get3A_133] {strides = array<i32>} : memref<1664xi32, #tpu.memory_space<vmem>>, vector<16xi32>,
      %slice3A_135 = vector.extract_strided_slice %get3A_134 {offsets = [0], sizes = [1], strides = [1]} : vector<16xi32> to vector<1xi32>
      %squeeze3A_136 = vector.extract %slice3A_135[0] : i32 from vector<1xi32>
      %gt3A_137 = arith.constant 0 : i32
      %gt3A_138 = arith.cmpi sgt, %squeeze3A_136, %gt3A_137 : i32
      %convert_element_type3A_139 = arith.extui %gt3A_138 : i1 to i32
      %cond3A_140 = arith.constant 0 : i32
      %cond3A_141 = arith.cmpi ne, %convert_element_type3A_139, %cond3A_140 : i32
      scf.if %cond3A_141 {
        %mul3A_262 = arith.constant 128 : i32
        %mul3A_263 = arith.muli %add3A_117, %mul3A_262 : i32
        %dma_wait3A_264 = tpu.memref_slice %arg15[%mul3A_263] : memref<12288xi32, #tpu.memory_space<vmem>> -> memref<128xi32, #tpu.memory_space<vmem>>
        %dma_wait3A_265 = arith.constant 0 : i32
        %dma_wait3A_266 = arith.constant 0 : i32
        %dma_wait3A_267 = tpu.memref_slice %arg2[%dma_wait3A_265, %dma_wait3A_266] : memref<196608x128xf32, #tpu.memory_space<hbm>> -> memref<196608x128xf32, #tpu.memory_space<hbm>>
        tpu.wait_indirect_dma semaphore(%arg29 : memref<!tpu.dma_semaphore, #tpu.memory_space<semaphore_mem>>) src(%dma_wait3A_267 : memref<196608x128xf32, #tpu.memory_space<hbm>>) dst(%arg23 : memref<128x128xf32, #tpu.memory_space<vmem>>)
      } else {
      }
      %mul3A_142 = arith.constant 16 : i32
      %mul3A_143 = arith.muli %add3A_117, %mul3A_142 : i32
      %get3A_144 = arith.index_cast %mul3A_143 : i32 to index
      %get3A_145 = tpu.vector_load %arg17[%get3A_144] {strides = array<i32>} : memref<1536xi32, #tpu.memory_space<vmem>>, vector<16xi32>,
      %mul3A_146 = arith.constant 512 : i32
      %mul3A_147 = arith.muli %scan3A_113, %mul3A_146 : i32
      %add3A_148 = arith.constant 0 : i32
      %add3A_149 = arith.addi %add3A_148, %mul3A_147 : i32
      %add3A_150 = arith.constant 0 : i32
      %add3A_151 = arith.addi %add3A_149, %add3A_150 : i32
      %scan3A_152 = arith.constant 0 : i32
      %scan3A_153 = arith.constant 0 : i32
      %scan3A_154 = arith.constant 8 : i32
      %scan3A_155 = arith.addi %scan3A_153, %scan3A_154 : i32
      %scan3A_156 = arith.constant 1 : i32
      scf.for %scan3A_262 = %scan3A_153 to %scan3A_155 step %scan3A_156  : i32 {
        %mul3A_263 = arith.constant 16 : i32
        %mul3A_264 = arith.muli %scan3A_262, %mul3A_263 : i32
        %add3A_265 = vector.broadcast %mul3A_264 : i32 to vector<16xi32>
        %add3A_266 = arith.addi %add3A_265, %iota3A : vector<16xi32>
        %gather3A_267 = tpu.vector_load_idx %arg23[%add3A_266, %get3A_145] : memref<128x128xf32, #tpu.memory_space<vmem>>[vector<16xi32>, vector<16xi32>], vector<16xf32>,
        %mul3A_268 = arith.constant 16 : i32
        %mul3A_269 = arith.muli %scan3A_262, %mul3A_268 : i32
        %add3A_270 = arith.addi %add3A_151, %mul3A_269 : i32
        %swap3A = arith.index_cast %add3A_270 : i32 to index
        %swap3A_271 = tpu.vector_load %arg28[%swap3A] {strides = array<i32>} : memref<24576xf32, #tpu.memory_space<vmem>>, vector<16xf32>,
        tpu.vector_store %arg28[%swap3A], %gather3A_267 {strides = array<i32>} : memref<24576xf32, #tpu.memory_space<vmem>>, vector<16xf32>,
      }
      %scan3A_157 = arith.constant 8 : i32
      %add3A_158 = arith.constant 1 : i32
      %add3A_159 = arith.addi %mul3A_115, %add3A_158 : i32
      %add3A_160 = arith.constant 2 : i32
      %add3A_161 = arith.addi %add3A_159, %add3A_160 : i32
      %mul3A_162 = arith.constant 16 : i32
      %mul3A_163 = arith.muli %add3A_161, %mul3A_162 : i32
      %get3A_164 = arith.index_cast %mul3A_163 : i32 to index
      %get3A_165 = tpu.vector_load %arg19[%get3A_164] {strides = array<i32>} : memref<1664xi32, #tpu.memory_space<vmem>>, vector<16xi32>,
      %slice3A_166 = vector.extract_strided_slice %get3A_165 {offsets = [0], sizes = [1], strides = [1]} : vector<16xi32> to vector<1xi32>
      %squeeze3A_167 = vector.extract %slice3A_166[0] : i32 from vector<1xi32>
      %gt3A_168 = arith.constant 0 : i32
      %gt3A_169 = arith.cmpi sgt, %squeeze3A_167, %gt3A_168 : i32
      %convert_element_type3A_170 = arith.extui %gt3A_169 : i1 to i32
      %cond3A_171 = arith.constant 0 : i32
      %cond3A_172 = arith.cmpi ne, %convert_element_type3A_170, %cond3A_171 : i32
      scf.if %cond3A_172 {
        %mul3A_262 = arith.constant 128 : i32
        %mul3A_263 = arith.muli %add3A_161, %mul3A_262 : i32
        %dma_start3A_264 = tpu.memref_slice %arg15[%mul3A_263] : memref<12288xi32, #tpu.memory_space<vmem>> -> memref<128xi32, #tpu.memory_space<vmem>>
        %dma_start3A_265 = arith.constant 0 : i32
        %dma_start3A_266 = arith.constant 0 : i32
        %dma_start3A_267 = tpu.memref_slice %arg2[%dma_start3A_265, %dma_start3A_266] : memref<196608x128xf32, #tpu.memory_space<hbm>> -> memref<196608x128xf32, #tpu.memory_space<hbm>>
        tpu.enqueue_indirect_dma source(%dma_start3A_267 : memref<196608x128xf32, #tpu.memory_space<hbm>>) target(%arg23 : memref<128x128xf32, #tpu.memory_space<vmem>>) offsets(%dma_start3A_264 : memref<128xi32, #tpu.memory_space<vmem>>) semaphore(%arg29 : memref<!tpu.dma_semaphore, #tpu.memory_space<semaphore_mem>>)
      } else {
      }
      %mul3A_173 = arith.constant 16 : i32
      %mul3A_174 = arith.muli %add3A_159, %mul3A_173 : i32
      %get3A_175 = arith.index_cast %mul3A_174 : i32 to index
      %get3A_176 = tpu.vector_load %arg19[%get3A_175] {strides = array<i32>} : memref<1664xi32, #tpu.memory_space<vmem>>, vector<16xi32>,
      %slice3A_177 = vector.extract_strided_slice %get3A_176 {offsets = [0], sizes = [1], strides = [1]} : vector<16xi32> to vector<1xi32>
      %squeeze3A_178 = vector.extract %slice3A_177[0] : i32 from vector<1xi32>
      %gt3A_179 = arith.constant 0 : i32
      %gt3A_180 = arith.cmpi sgt, %squeeze3A_178, %gt3A_179 : i32
      %convert_element_type3A_181 = arith.extui %gt3A_180 : i1 to i32
      %cond3A_182 = arith.constant 0 : i32
      %cond3A_183 = arith.cmpi ne, %convert_element_type3A_181, %cond3A_182 : i32
      scf.if %cond3A_183 {
        %mul3A_262 = arith.constant 128 : i32
        %mul3A_263 = arith.muli %add3A_159, %mul3A_262 : i32
        %dma_wait3A_264 = tpu.memref_slice %arg15[%mul3A_263] : memref<12288xi32, #tpu.memory_space<vmem>> -> memref<128xi32, #tpu.memory_space<vmem>>
        %dma_wait3A_265 = arith.constant 0 : i32
        %dma_wait3A_266 = arith.constant 0 : i32
        %dma_wait3A_267 = tpu.memref_slice %arg2[%dma_wait3A_265, %dma_wait3A_266] : memref<196608x128xf32, #tpu.memory_space<hbm>> -> memref<196608x128xf32, #tpu.memory_space<hbm>>
        tpu.wait_indirect_dma semaphore(%arg30 : memref<!tpu.dma_semaphore, #tpu.memory_space<semaphore_mem>>) src(%dma_wait3A_267 : memref<196608x128xf32, #tpu.memory_space<hbm>>) dst(%arg24 : memref<128x128xf32, #tpu.memory_space<vmem>>)
      } else {
      }
      %mul3A_184 = arith.constant 16 : i32
      %mul3A_185 = arith.muli %add3A_159, %mul3A_184 : i32
      %get3A_186 = arith.index_cast %mul3A_185 : i32 to index
      %get3A_187 = tpu.vector_load %arg17[%get3A_186] {strides = array<i32>} : memref<1536xi32, #tpu.memory_space<vmem>>, vector<16xi32>,
      %mul3A_188 = arith.constant 512 : i32
      %mul3A_189 = arith.muli %scan3A_113, %mul3A_188 : i32
      %add3A_190 = arith.constant 0 : i32
      %add3A_191 = arith.addi %add3A_190, %mul3A_189 : i32
      %add3A_192 = arith.constant 128 : i32
      %add3A_193 = arith.addi %add3A_191, %add3A_192 : i32
      %scan3A_194 = arith.constant 0 : i32
      %scan3A_195 = arith.constant 0 : i32
      %scan3A_196 = arith.constant 8 : i32
      %scan3A_197 = arith.addi %scan3A_195, %scan3A_196 : i32
      %scan3A_198 = arith.constant 1 : i32
      scf.for %scan3A_262 = %scan3A_195 to %scan3A_197 step %scan3A_198  : i32 {
        %mul3A_263 = arith.constant 16 : i32
        %mul3A_264 = arith.muli %scan3A_262, %mul3A_263 : i32
        %add3A_265 = vector.broadcast %mul3A_264 : i32 to vector<16xi32>
        %add3A_266 = arith.addi %add3A_265, %iota3A : vector<16xi32>
        %gather3A_267 = tpu.vector_load_idx %arg24[%add3A_266, %get3A_187] : memref<128x128xf32, #tpu.memory_space<vmem>>[vector<16xi32>, vector<16xi32>], vector<16xf32>,
        %mul3A_268 = arith.constant 16 : i32
        %mul3A_269 = arith.muli %scan3A_262, %mul3A_268 : i32
        %add3A_270 = arith.addi %add3A_193, %mul3A_269 : i32
        %swap3A = arith.index_cast %add3A_270 : i32 to index
        %swap3A_271 = tpu.vector_load %arg28[%swap3A] {strides = array<i32>} : memref<24576xf32, #tpu.memory_space<vmem>>, vector<16xf32>,
        tpu.vector_store %arg28[%swap3A], %gather3A_267 {strides = array<i32>} : memref<24576xf32, #tpu.memory_space<vmem>>, vector<16xf32>,
      }
      %scan3A_199 = arith.constant 8 : i32
      %add3A_200 = arith.constant 2 : i32
      %add3A_201 = arith.addi %mul3A_115, %add3A_200 : i32
      %add3A_202 = arith.constant 2 : i32
      %add3A_203 = arith.addi %add3A_201, %add3A_202 : i32
      %mul3A_204 = arith.constant 16 : i32
      %mul3A_205 = arith.muli %add3A_203, %mul3A_204 : i32
      %get3A_206 = arith.index_cast %mul3A_205 : i32 to index
      %get3A_207 = tpu.vector_load %arg19[%get3A_206] {strides = array<i32>} : memref<1664xi32, #tpu.memory_space<vmem>>, vector<16xi32>,
      %slice3A_208 = vector.extract_strided_slice %get3A_207 {offsets = [0], sizes = [1], strides = [1]} : vector<16xi32> to vector<1xi32>
      %squeeze3A_209 = vector.extract %slice3A_208[0] : i32 from vector<1xi32>
      %gt3A_210 = arith.constant 0 : i32
      %gt3A_211 = arith.cmpi sgt, %squeeze3A_209, %gt3A_210 : i32
      %convert_element_type3A_212 = arith.extui %gt3A_211 : i1 to i32
      %cond3A_213 = arith.constant 0 : i32
      %cond3A_214 = arith.cmpi ne, %convert_element_type3A_212, %cond3A_213 : i32
      scf.if %cond3A_214 {
        %mul3A_262 = arith.constant 128 : i32
        %mul3A_263 = arith.muli %add3A_203, %mul3A_262 : i32
        %dma_start3A_264 = tpu.memref_slice %arg15[%mul3A_263] : memref<12288xi32, #tpu.memory_space<vmem>> -> memref<128xi32, #tpu.memory_space<vmem>>
        %dma_start3A_265 = arith.constant 0 : i32
        %dma_start3A_266 = arith.constant 0 : i32
        %dma_start3A_267 = tpu.memref_slice %arg2[%dma_start3A_265, %dma_start3A_266] : memref<196608x128xf32, #tpu.memory_space<hbm>> -> memref<196608x128xf32, #tpu.memory_space<hbm>>
        tpu.enqueue_indirect_dma source(%dma_start3A_267 : memref<196608x128xf32, #tpu.memory_space<hbm>>) target(%arg24 : memref<128x128xf32, #tpu.memory_space<vmem>>) offsets(%dma_start3A_264 : memref<128xi32, #tpu.memory_space<vmem>>) semaphore(%arg30 : memref<!tpu.dma_semaphore, #tpu.memory_space<semaphore_mem>>)
      } else {
      }
      %mul3A_215 = arith.constant 16 : i32
      %mul3A_216 = arith.muli %add3A_201, %mul3A_215 : i32
      %get3A_217 = arith.index_cast %mul3A_216 : i32 to index
      %get3A_218 = tpu.vector_load %arg19[%get3A_217] {strides = array<i32>} : memref<1664xi32, #tpu.memory_space<vmem>>, vector<16xi32>,
      %slice3A_219 = vector.extract_strided_slice %get3A_218 {offsets = [0], sizes = [1], strides = [1]} : vector<16xi32> to vector<1xi32>
      %squeeze3A_220 = vector.extract %slice3A_219[0] : i32 from vector<1xi32>
      %gt3A_221 = arith.constant 0 : i32
      %gt3A_222 = arith.cmpi sgt, %squeeze3A_220, %gt3A_221 : i32
      %convert_element_type3A_223 = arith.extui %gt3A_222 : i1 to i32
      %cond3A_224 = arith.constant 0 : i32
      %cond3A_225 = arith.cmpi ne, %convert_element_type3A_223, %cond3A_224 : i32
      scf.if %cond3A_225 {
        %mul3A_262 = arith.constant 128 : i32
        %mul3A_263 = arith.muli %add3A_201, %mul3A_262 : i32
        %dma_wait3A_264 = tpu.memref_slice %arg15[%mul3A_263] : memref<12288xi32, #tpu.memory_space<vmem>> -> memref<128xi32, #tpu.memory_space<vmem>>
        %dma_wait3A_265 = arith.constant 0 : i32
        %dma_wait3A_266 = arith.constant 0 : i32
        %dma_wait3A_267 = tpu.memref_slice %arg2[%dma_wait3A_265, %dma_wait3A_266] : memref<196608x128xf32, #tpu.memory_space<hbm>> -> memref<196608x128xf32, #tpu.memory_space<hbm>>
        tpu.wait_indirect_dma semaphore(%arg31 : memref<!tpu.dma_semaphore, #tpu.memory_space<semaphore_mem>>) src(%dma_wait3A_267 : memref<196608x128xf32, #tpu.memory_space<hbm>>) dst(%arg25 : memref<128x128xf32, #tpu.memory_space<vmem>>)
      } else {
      }
      %mul3A_226 = arith.constant 16 : i32
      %mul3A_227 = arith.muli %add3A_201, %mul3A_226 : i32
      %get3A_228 = arith.index_cast %mul3A_227 : i32 to index
      %get3A_229 = tpu.vector_load %arg17[%get3A_228] {strides = array<i32>} : memref<1536xi32, #tpu.memory_space<vmem>>, vector<16xi32>,
      %mul3A_230 = arith.constant 512 : i32
      %mul3A_231 = arith.muli %scan3A_113, %mul3A_230 : i32
      %add3A_232 = arith.constant 0 : i32
      %add3A_233 = arith.addi %add3A_232, %mul3A_231 : i32
      %add3A_234 = arith.constant 256 : i32
      %add3A_235 = arith.addi %add3A_233, %add3A_234 : i32
      %scan3A_236 = arith.constant 0 : i32
      %scan3A_237 = arith.constant 0 : i32
      %scan3A_238 = arith.constant 8 : i32
      %scan3A_239 = arith.addi %scan3A_237, %scan3A_238 : i32
      %scan3A_240 = arith.constant 1 : i32
      scf.for %scan3A_262 = %scan3A_237 to %scan3A_239 step %scan3A_240  : i32 {
        %mul3A_263 = arith.constant 16 : i32
        %mul3A_264 = arith.muli %scan3A_262, %mul3A_263 : i32
        %add3A_265 = vector.broadcast %mul3A_264 : i32 to vector<16xi32>
        %add3A_266 = arith.addi %add3A_265, %iota3A : vector<16xi32>
        %gather3A_267 = tpu.vector_load_idx %arg25[%add3A_266, %get3A_229] : memref<128x128xf32, #tpu.memory_space<vmem>>[vector<16xi32>, vector<16xi32>], vector<16xf32>,
        %mul3A_268 = arith.constant 16 : i32
        %mul3A_269 = arith.muli %scan3A_262, %mul3A_268 : i32
        %add3A_270 = arith.addi %add3A_235, %mul3A_269 : i32
        %swap3A = arith.index_cast %add3A_270 : i32 to index
        %swap3A_271 = tpu.vector_load %arg28[%swap3A] {strides = array<i32>} : memref<24576xf32, #tpu.memory_space<vmem>>, vector<16xf32>,
        tpu.vector_store %arg28[%swap3A], %gather3A_267 {strides = array<i32>} : memref<24576xf32, #tpu.memory_space<vmem>>, vector<16xf32>,
      }
      %scan3A_241 = arith.constant 8 : i32
      %add3A_242 = arith.constant 0 : i32
      %add3A_243 = arith.addi %add3A_242, %scan3A_113 : i32
      %mul3A_244 = arith.constant 16 : i32
      %mul3A_245 = arith.muli %add3A_243, %mul3A_244 : i32
      %get3A_246 = arith.index_cast %mul3A_245 : i32 to index
      %get3A_247 = tpu.vector_load %arg21[%get3A_246] {strides = array<i32>} : memref<768xi32, #tpu.memory_space<vmem>>, vector<16xi32>,
      %mul3A_248 = arith.constant 512 : i32
      %mul3A_249 = arith.muli %scan3A_113, %mul3A_248 : i32
      %add3A_250 = arith.constant 0 : i32
      %add3A_251 = arith.addi %add3A_250, %mul3A_249 : i32
      %slice3A_252 = vector.extract_strided_slice %get3A_247 {offsets = [0], sizes = [1], strides = [1]} : vector<16xi32> to vector<1xi32>
      %squeeze3A_253 = vector.extract %slice3A_252[0] : i32 from vector<1xi32>
      %dma_start3A_254 = tpu.memref_slice %arg28[%add3A_251] : memref<24576xf32, #tpu.memory_space<vmem>> -> memref<512xf32, #tpu.memory_space<vmem>>
      %dma_start3A_255 = arith.constant 0 : i32
      %dma_start3A_256 = tpu.memref_slice %arg14[%squeeze3A_253, %dma_start3A_255] : memref<1536x512xf32, #tpu.memory_space<hbm>> -> memref<1x512xf32, #tpu.memory_space<hbm>>
      %dma_start3A_257 = tpu.memref_squeeze %dma_start3A_256 : memref<1x512xf32, #tpu.memory_space<hbm>> -> memref<512xf32, #tpu.memory_space<hbm>>
      %dma_start3A_258 = arith.constant 0 : i32
      %dma_start3A_259 = tpu.memref_slice %arg14[%squeeze3A_253, %dma_start3A_258] : memref<1536x512xf32, #tpu.memory_space<hbm>> -> memref<1x512xf32, #tpu.memory_space<hbm>>
      %dma_start3A_260 = tpu.memref_squeeze %dma_start3A_259 : memref<1x512xf32, #tpu.memory_space<hbm>> -> memref<512xf32, #tpu.memory_space<hbm>>
      %dma_start3A_261 = tpu.memref_slice %arg28[%add3A_251] : memref<24576xf32, #tpu.memory_space<vmem>> -> memref<512xf32, #tpu.memory_space<vmem>>
      tpu.enqueue_dma source(%dma_start3A_261 : memref<512xf32, #tpu.memory_space<vmem>>) target(%dma_start3A_260 : memref<512xf32, #tpu.memory_space<hbm>>) target_semaphore(%arg34 : memref<!tpu.dma_semaphore, #tpu.memory_space<semaphore_mem>>)
    }
    %scan3A_82 = arith.constant 32 : i32
    %get3A_83 = arith.constant 0 : index
    %get3A_84 = tpu.vector_load %arg20[%get3A_83] {strides = array<i32>} : memref<896xi32, #tpu.memory_space<vmem>>, vector<16xi32>,
    %slice3A_85 = vector.extract_strided_slice %get3A_84 {offsets = [0], sizes = [1], strides = [1]} : vector<16xi32> to vector<1xi32>
    %squeeze3A_86 = vector.extract %slice3A_85[0] : i32 from vector<1xi32>
    %gt3A_87 = arith.constant 0 : i32
    %gt3A_88 = arith.cmpi sgt, %squeeze3A_86, %gt3A_87 : i32
    %convert_element_type3A_89 = arith.extui %gt3A_88 : i1 to i32
    %cond3A_90 = arith.constant 0 : i32
    %cond3A_91 = arith.cmpi ne, %convert_element_type3A_89, %cond3A_90 : i32
    scf.if %cond3A_91 {
      %dma_start3A_113 = arith.constant 0 : i32
      %dma_start3A_114 = tpu.memref_slice %arg16[%dma_start3A_113] : memref<6144xi32, #tpu.memory_space<vmem>> -> memref<128xi32, #tpu.memory_space<vmem>>
      %dma_start3A_115 = arith.constant 0 : i32
      %dma_start3A_116 = arith.constant 0 : i32
      %dma_start3A_117 = tpu.memref_slice %arg3[%dma_start3A_115, %dma_start3A_116] : memref<196608x128xf32, #tpu.memory_space<hbm>> -> memref<196608x128xf32, #tpu.memory_space<hbm>>
      tpu.enqueue_indirect_dma source(%dma_start3A_117 : memref<196608x128xf32, #tpu.memory_space<hbm>>) target(%arg23 : memref<128x128xf32, #tpu.memory_space<vmem>>) offsets(%dma_start3A_114 : memref<128xi32, #tpu.memory_space<vmem>>) semaphore(%arg29 : memref<!tpu.dma_semaphore, #tpu.memory_space<semaphore_mem>>)
    } else {
    }
    %get3A_92 = arith.constant 16 : index
    %get3A_93 = tpu.vector_load %arg20[%get3A_92] {strides = array<i32>} : memref<896xi32, #tpu.memory_space<vmem>>, vector<16xi32>,
    %slice3A_94 = vector.extract_strided_slice %get3A_93 {offsets = [0], sizes = [1], strides = [1]} : vector<16xi32> to vector<1xi32>
    %squeeze3A_95 = vector.extract %slice3A_94[0] : i32 from vector<1xi32>
    %gt3A_96 = arith.constant 0 : i32
    %gt3A_97 = arith.cmpi sgt, %squeeze3A_95, %gt3A_96 : i32
    %convert_element_type3A_98 = arith.extui %gt3A_97 : i1 to i32
    %cond3A_99 = arith.constant 0 : i32
    %cond3A_100 = arith.cmpi ne, %convert_element_type3A_98, %cond3A_99 : i32
    scf.if %cond3A_100 {
      %dma_start3A_113 = arith.constant 128 : i32
      %dma_start3A_114 = tpu.memref_slice %arg16[%dma_start3A_113] : memref<6144xi32, #tpu.memory_space<vmem>> -> memref<128xi32, #tpu.memory_space<vmem>>
      %dma_start3A_115 = arith.constant 0 : i32
      %dma_start3A_116 = arith.constant 0 : i32
      %dma_start3A_117 = tpu.memref_slice %arg3[%dma_start3A_115, %dma_start3A_116] : memref<196608x128xf32, #tpu.memory_space<hbm>> -> memref<196608x128xf32, #tpu.memory_space<hbm>>
      tpu.enqueue_indirect_dma source(%dma_start3A_117 : memref<196608x128xf32, #tpu.memory_space<hbm>>) target(%arg24 : memref<128x128xf32, #tpu.memory_space<vmem>>) offsets(%dma_start3A_114 : memref<128xi32, #tpu.memory_space<vmem>>) semaphore(%arg30 : memref<!tpu.dma_semaphore, #tpu.memory_space<semaphore_mem>>)
    } else {
    }
    %scan3A_101 = arith.constant 0 : i32
    %scan3A_102 = arith.constant 0 : i32
    %scan3A_103 = arith.constant 16 : i32
    %scan3A_104 = arith.addi %scan3A_102, %scan3A_103 : i32
    %scan3A_105 = arith.constant 1 : i32
    scf.for %scan3A_113 = %scan3A_102 to %scan3A_104 step %scan3A_105  : i32 {
      %mul3A_114 = arith.constant 3 : i32
      %mul3A_115 = arith.muli %scan3A_113, %mul3A_114 : i32
      %add3A_116 = arith.constant 0 : i32
      %add3A_117 = arith.addi %mul3A_115, %add3A_116 : i32
      %add3A_118 = arith.constant 2 : i32
      %add3A_119 = arith.addi %add3A_117, %add3A_118 : i32
      %mul3A_120 = arith.constant 16 : i32
      %mul3A_121 = arith.muli %add3A_119, %mul3A_120 : i32
      %get3A_122 = arith.index_cast %mul3A_121 : i32 to index
      %get3A_123 = tpu.vector_load %arg20[%get3A_122] {strides = array<i32>} : memref<896xi32, #tpu.memory_space<vmem>>, vector<16xi32>,
      %slice3A_124 = vector.extract_strided_slice %get3A_123 {offsets = [0], sizes = [1], strides = [1]} : vector<16xi32> to vector<1xi32>
      %squeeze3A_125 = vector.extract %slice3A_124[0] : i32 from vector<1xi32>
      %gt3A_126 = arith.constant 0 : i32
      %gt3A_127 = arith.cmpi sgt, %squeeze3A_125, %gt3A_126 : i32
      %convert_element_type3A_128 = arith.extui %gt3A_127 : i1 to i32
      %cond3A_129 = arith.constant 0 : i32
      %cond3A_130 = arith.cmpi ne, %convert_element_type3A_128, %cond3A_129 : i32
      scf.if %cond3A_130 {
        %mul3A_262 = arith.constant 128 : i32
        %mul3A_263 = arith.muli %add3A_119, %mul3A_262 : i32
        %dma_start3A_264 = tpu.memref_slice %arg16[%mul3A_263] : memref<6144xi32, #tpu.memory_space<vmem>> -> memref<128xi32, #tpu.memory_space<vmem>>
        %dma_start3A_265 = arith.constant 0 : i32
        %dma_start3A_266 = arith.constant 0 : i32
        %dma_start3A_267 = tpu.memref_slice %arg3[%dma_start3A_265, %dma_start3A_266] : memref<196608x128xf32, #tpu.memory_space<hbm>> -> memref<196608x128xf32, #tpu.memory_space<hbm>>
        tpu.enqueue_indirect_dma source(%dma_start3A_267 : memref<196608x128xf32, #tpu.memory_space<hbm>>) target(%arg25 : memref<128x128xf32, #tpu.memory_space<vmem>>) offsets(%dma_start3A_264 : memref<128xi32, #tpu.memory_space<vmem>>) semaphore(%arg31 : memref<!tpu.dma_semaphore, #tpu.memory_space<semaphore_mem>>)
      } else {
      }
      %mul3A_131 = arith.constant 16 : i32
      %mul3A_132 = arith.muli %add3A_117, %mul3A_131 : i32
      %get3A_133 = arith.index_cast %mul3A_132 : i32 to index
      %get3A_134 = tpu.vector_load %arg20[%get3A_133] {strides = array<i32>} : memref<896xi32, #tpu.memory_space<vmem>>, vector<16xi32>,
      %slice3A_135 = vector.extract_strided_slice %get3A_134 {offsets = [0], sizes = [1], strides = [1]} : vector<16xi32> to vector<1xi32>
      %squeeze3A_136 = vector.extract %slice3A_135[0] : i32 from vector<1xi32>
      %gt3A_137 = arith.constant 0 : i32
      %gt3A_138 = arith.cmpi sgt, %squeeze3A_136, %gt3A_137 : i32
      %convert_element_type3A_139 = arith.extui %gt3A_138 : i1 to i32
      %cond3A_140 = arith.constant 0 : i32
      %cond3A_141 = arith.cmpi ne, %convert_element_type3A_139, %cond3A_140 : i32
      scf.if %cond3A_141 {
        %mul3A_262 = arith.constant 128 : i32
        %mul3A_263 = arith.muli %add3A_117, %mul3A_262 : i32
        %dma_wait3A_264 = tpu.memref_slice %arg16[%mul3A_263] : memref<6144xi32, #tpu.memory_space<vmem>> -> memref<128xi32, #tpu.memory_space<vmem>>
        %dma_wait3A_265 = arith.constant 0 : i32
        %dma_wait3A_266 = arith.constant 0 : i32
        %dma_wait3A_267 = tpu.memref_slice %arg3[%dma_wait3A_265, %dma_wait3A_266] : memref<196608x128xf32, #tpu.memory_space<hbm>> -> memref<196608x128xf32, #tpu.memory_space<hbm>>
        tpu.wait_indirect_dma semaphore(%arg29 : memref<!tpu.dma_semaphore, #tpu.memory_space<semaphore_mem>>) src(%dma_wait3A_267 : memref<196608x128xf32, #tpu.memory_space<hbm>>) dst(%arg23 : memref<128x128xf32, #tpu.memory_space<vmem>>)
      } else {
      }
      %mul3A_142 = arith.constant 16 : i32
      %mul3A_143 = arith.muli %add3A_117, %mul3A_142 : i32
      %get3A_144 = arith.index_cast %mul3A_143 : i32 to index
      %get3A_145 = tpu.vector_load %arg18[%get3A_144] {strides = array<i32>} : memref<768xi32, #tpu.memory_space<vmem>>, vector<16xi32>,
      %mul3A_146 = arith.constant 512 : i32
      %mul3A_147 = arith.muli %scan3A_113, %mul3A_146 : i32
      %add3A_148 = arith.constant 16384 : i32
      %add3A_149 = arith.addi %add3A_148, %mul3A_147 : i32
      %add3A_150 = arith.constant 0 : i32
      %add3A_151 = arith.addi %add3A_149, %add3A_150 : i32
      %scan3A_152 = arith.constant 0 : i32
      %scan3A_153 = arith.constant 0 : i32
      %scan3A_154 = arith.constant 8 : i32
      %scan3A_155 = arith.addi %scan3A_153, %scan3A_154 : i32
      %scan3A_156 = arith.constant 1 : i32
      scf.for %scan3A_262 = %scan3A_153 to %scan3A_155 step %scan3A_156  : i32 {
        %mul3A_263 = arith.constant 16 : i32
        %mul3A_264 = arith.muli %scan3A_262, %mul3A_263 : i32
        %add3A_265 = vector.broadcast %mul3A_264 : i32 to vector<16xi32>
        %add3A_266 = arith.addi %add3A_265, %iota3A : vector<16xi32>
        %gather3A_267 = tpu.vector_load_idx %arg23[%add3A_266, %get3A_145] : memref<128x128xf32, #tpu.memory_space<vmem>>[vector<16xi32>, vector<16xi32>], vector<16xf32>,
        %mul3A_268 = arith.constant 16 : i32
        %mul3A_269 = arith.muli %scan3A_262, %mul3A_268 : i32
        %add3A_270 = arith.addi %add3A_151, %mul3A_269 : i32
        %swap3A = arith.index_cast %add3A_270 : i32 to index
        %swap3A_271 = tpu.vector_load %arg28[%swap3A] {strides = array<i32>} : memref<24576xf32, #tpu.memory_space<vmem>>, vector<16xf32>,
        tpu.vector_store %arg28[%swap3A], %gather3A_267 {strides = array<i32>} : memref<24576xf32, #tpu.memory_space<vmem>>, vector<16xf32>,
      }
      %scan3A_157 = arith.constant 8 : i32
      %add3A_158 = arith.constant 1 : i32
      %add3A_159 = arith.addi %mul3A_115, %add3A_158 : i32
      %add3A_160 = arith.constant 2 : i32
      %add3A_161 = arith.addi %add3A_159, %add3A_160 : i32
      %mul3A_162 = arith.constant 16 : i32
      %mul3A_163 = arith.muli %add3A_161, %mul3A_162 : i32
      %get3A_164 = arith.index_cast %mul3A_163 : i32 to index
      %get3A_165 = tpu.vector_load %arg20[%get3A_164] {strides = array<i32>} : memref<896xi32, #tpu.memory_space<vmem>>, vector<16xi32>,
      %slice3A_166 = vector.extract_strided_slice %get3A_165 {offsets = [0], sizes = [1], strides = [1]} : vector<16xi32> to vector<1xi32>
      %squeeze3A_167 = vector.extract %slice3A_166[0] : i32 from vector<1xi32>
      %gt3A_168 = arith.constant 0 : i32
      %gt3A_169 = arith.cmpi sgt, %squeeze3A_167, %gt3A_168 : i32
      %convert_element_type3A_170 = arith.extui %gt3A_169 : i1 to i32
      %cond3A_171 = arith.constant 0 : i32
      %cond3A_172 = arith.cmpi ne, %convert_element_type3A_170, %cond3A_171 : i32
      scf.if %cond3A_172 {
        %mul3A_262 = arith.constant 128 : i32
        %mul3A_263 = arith.muli %add3A_161, %mul3A_262 : i32
        %dma_start3A_264 = tpu.memref_slice %arg16[%mul3A_263] : memref<6144xi32, #tpu.memory_space<vmem>> -> memref<128xi32, #tpu.memory_space<vmem>>
        %dma_start3A_265 = arith.constant 0 : i32
        %dma_start3A_266 = arith.constant 0 : i32
        %dma_start3A_267 = tpu.memref_slice %arg3[%dma_start3A_265, %dma_start3A_266] : memref<196608x128xf32, #tpu.memory_space<hbm>> -> memref<196608x128xf32, #tpu.memory_space<hbm>>
        tpu.enqueue_indirect_dma source(%dma_start3A_267 : memref<196608x128xf32, #tpu.memory_space<hbm>>) target(%arg23 : memref<128x128xf32, #tpu.memory_space<vmem>>) offsets(%dma_start3A_264 : memref<128xi32, #tpu.memory_space<vmem>>) semaphore(%arg29 : memref<!tpu.dma_semaphore, #tpu.memory_space<semaphore_mem>>)
      } else {
      }
      %mul3A_173 = arith.constant 16 : i32
      %mul3A_174 = arith.muli %add3A_159, %mul3A_173 : i32
      %get3A_175 = arith.index_cast %mul3A_174 : i32 to index
      %get3A_176 = tpu.vector_load %arg20[%get3A_175] {strides = array<i32>} : memref<896xi32, #tpu.memory_space<vmem>>, vector<16xi32>,
      %slice3A_177 = vector.extract_strided_slice %get3A_176 {offsets = [0], sizes = [1], strides = [1]} : vector<16xi32> to vector<1xi32>
      %squeeze3A_178 = vector.extract %slice3A_177[0] : i32 from vector<1xi32>
      %gt3A_179 = arith.constant 0 : i32
      %gt3A_180 = arith.cmpi sgt, %squeeze3A_178, %gt3A_179 : i32
      %convert_element_type3A_181 = arith.extui %gt3A_180 : i1 to i32
      %cond3A_182 = arith.constant 0 : i32
      %cond3A_183 = arith.cmpi ne, %convert_element_type3A_181, %cond3A_182 : i32
      scf.if %cond3A_183 {
        %mul3A_262 = arith.constant 128 : i32
        %mul3A_263 = arith.muli %add3A_159, %mul3A_262 : i32
        %dma_wait3A_264 = tpu.memref_slice %arg16[%mul3A_263] : memref<6144xi32, #tpu.memory_space<vmem>> -> memref<128xi32, #tpu.memory_space<vmem>>
        %dma_wait3A_265 = arith.constant 0 : i32
        %dma_wait3A_266 = arith.constant 0 : i32
        %dma_wait3A_267 = tpu.memref_slice %arg3[%dma_wait3A_265, %dma_wait3A_266] : memref<196608x128xf32, #tpu.memory_space<hbm>> -> memref<196608x128xf32, #tpu.memory_space<hbm>>
        tpu.wait_indirect_dma semaphore(%arg30 : memref<!tpu.dma_semaphore, #tpu.memory_space<semaphore_mem>>) src(%dma_wait3A_267 : memref<196608x128xf32, #tpu.memory_space<hbm>>) dst(%arg24 : memref<128x128xf32, #tpu.memory_space<vmem>>)
      } else {
      }
      %mul3A_184 = arith.constant 16 : i32
      %mul3A_185 = arith.muli %add3A_159, %mul3A_184 : i32
      %get3A_186 = arith.index_cast %mul3A_185 : i32 to index
      %get3A_187 = tpu.vector_load %arg18[%get3A_186] {strides = array<i32>} : memref<768xi32, #tpu.memory_space<vmem>>, vector<16xi32>,
      %mul3A_188 = arith.constant 512 : i32
      %mul3A_189 = arith.muli %scan3A_113, %mul3A_188 : i32
      %add3A_190 = arith.constant 16384 : i32
      %add3A_191 = arith.addi %add3A_190, %mul3A_189 : i32
      %add3A_192 = arith.constant 128 : i32
      %add3A_193 = arith.addi %add3A_191, %add3A_192 : i32
      %scan3A_194 = arith.constant 0 : i32
      %scan3A_195 = arith.constant 0 : i32
      %scan3A_196 = arith.constant 8 : i32
      %scan3A_197 = arith.addi %scan3A_195, %scan3A_196 : i32
      %scan3A_198 = arith.constant 1 : i32
      scf.for %scan3A_262 = %scan3A_195 to %scan3A_197 step %scan3A_198  : i32 {
        %mul3A_263 = arith.constant 16 : i32
        %mul3A_264 = arith.muli %scan3A_262, %mul3A_263 : i32
        %add3A_265 = vector.broadcast %mul3A_264 : i32 to vector<16xi32>
        %add3A_266 = arith.addi %add3A_265, %iota3A : vector<16xi32>
        %gather3A_267 = tpu.vector_load_idx %arg24[%add3A_266, %get3A_187] : memref<128x128xf32, #tpu.memory_space<vmem>>[vector<16xi32>, vector<16xi32>], vector<16xf32>,
        %mul3A_268 = arith.constant 16 : i32
        %mul3A_269 = arith.muli %scan3A_262, %mul3A_268 : i32
        %add3A_270 = arith.addi %add3A_193, %mul3A_269 : i32
        %swap3A = arith.index_cast %add3A_270 : i32 to index
        %swap3A_271 = tpu.vector_load %arg28[%swap3A] {strides = array<i32>} : memref<24576xf32, #tpu.memory_space<vmem>>, vector<16xf32>,
        tpu.vector_store %arg28[%swap3A], %gather3A_267 {strides = array<i32>} : memref<24576xf32, #tpu.memory_space<vmem>>, vector<16xf32>,
      }
      %scan3A_199 = arith.constant 8 : i32
      %add3A_200 = arith.constant 2 : i32
      %add3A_201 = arith.addi %mul3A_115, %add3A_200 : i32
      %add3A_202 = arith.constant 2 : i32
      %add3A_203 = arith.addi %add3A_201, %add3A_202 : i32
      %mul3A_204 = arith.constant 16 : i32
      %mul3A_205 = arith.muli %add3A_203, %mul3A_204 : i32
      %get3A_206 = arith.index_cast %mul3A_205 : i32 to index
      %get3A_207 = tpu.vector_load %arg20[%get3A_206] {strides = array<i32>} : memref<896xi32, #tpu.memory_space<vmem>>, vector<16xi32>,
      %slice3A_208 = vector.extract_strided_slice %get3A_207 {offsets = [0], sizes = [1], strides = [1]} : vector<16xi32> to vector<1xi32>
      %squeeze3A_209 = vector.extract %slice3A_208[0] : i32 from vector<1xi32>
      %gt3A_210 = arith.constant 0 : i32
      %gt3A_211 = arith.cmpi sgt, %squeeze3A_209, %gt3A_210 : i32
      %convert_element_type3A_212 = arith.extui %gt3A_211 : i1 to i32
      %cond3A_213 = arith.constant 0 : i32
      %cond3A_214 = arith.cmpi ne, %convert_element_type3A_212, %cond3A_213 : i32
      scf.if %cond3A_214 {
        %mul3A_262 = arith.constant 128 : i32
        %mul3A_263 = arith.muli %add3A_203, %mul3A_262 : i32
        %dma_start3A_264 = tpu.memref_slice %arg16[%mul3A_263] : memref<6144xi32, #tpu.memory_space<vmem>> -> memref<128xi32, #tpu.memory_space<vmem>>
        %dma_start3A_265 = arith.constant 0 : i32
        %dma_start3A_266 = arith.constant 0 : i32
        %dma_start3A_267 = tpu.memref_slice %arg3[%dma_start3A_265, %dma_start3A_266] : memref<196608x128xf32, #tpu.memory_space<hbm>> -> memref<196608x128xf32, #tpu.memory_space<hbm>>
        tpu.enqueue_indirect_dma source(%dma_start3A_267 : memref<196608x128xf32, #tpu.memory_space<hbm>>) target(%arg24 : memref<128x128xf32, #tpu.memory_space<vmem>>) offsets(%dma_start3A_264 : memref<128xi32, #tpu.memory_space<vmem>>) semaphore(%arg30 : memref<!tpu.dma_semaphore, #tpu.memory_space<semaphore_mem>>)
      } else {
      }
      %mul3A_215 = arith.constant 16 : i32
      %mul3A_216 = arith.muli %add3A_201, %mul3A_215 : i32
      %get3A_217 = arith.index_cast %mul3A_216 : i32 to index
      %get3A_218 = tpu.vector_load %arg20[%get3A_217] {strides = array<i32>} : memref<896xi32, #tpu.memory_space<vmem>>, vector<16xi32>,
      %slice3A_219 = vector.extract_strided_slice %get3A_218 {offsets = [0], sizes = [1], strides = [1]} : vector<16xi32> to vector<1xi32>
      %squeeze3A_220 = vector.extract %slice3A_219[0] : i32 from vector<1xi32>
      %gt3A_221 = arith.constant 0 : i32
      %gt3A_222 = arith.cmpi sgt, %squeeze3A_220, %gt3A_221 : i32
      %convert_element_type3A_223 = arith.extui %gt3A_222 : i1 to i32
      %cond3A_224 = arith.constant 0 : i32
      %cond3A_225 = arith.cmpi ne, %convert_element_type3A_223, %cond3A_224 : i32
      scf.if %cond3A_225 {
        %mul3A_262 = arith.constant 128 : i32
        %mul3A_263 = arith.muli %add3A_201, %mul3A_262 : i32
        %dma_wait3A_264 = tpu.memref_slice %arg16[%mul3A_263] : memref<6144xi32, #tpu.memory_space<vmem>> -> memref<128xi32, #tpu.memory_space<vmem>>
        %dma_wait3A_265 = arith.constant 0 : i32
        %dma_wait3A_266 = arith.constant 0 : i32
        %dma_wait3A_267 = tpu.memref_slice %arg3[%dma_wait3A_265, %dma_wait3A_266] : memref<196608x128xf32, #tpu.memory_space<hbm>> -> memref<196608x128xf32, #tpu.memory_space<hbm>>
        tpu.wait_indirect_dma semaphore(%arg31 : memref<!tpu.dma_semaphore, #tpu.memory_space<semaphore_mem>>) src(%dma_wait3A_267 : memref<196608x128xf32, #tpu.memory_space<hbm>>) dst(%arg25 : memref<128x128xf32, #tpu.memory_space<vmem>>)
      } else {
      }
      %mul3A_226 = arith.constant 16 : i32
      %mul3A_227 = arith.muli %add3A_201, %mul3A_226 : i32
      %get3A_228 = arith.index_cast %mul3A_227 : i32 to index
      %get3A_229 = tpu.vector_load %arg18[%get3A_228] {strides = array<i32>} : memref<768xi32, #tpu.memory_space<vmem>>, vector<16xi32>,
      %mul3A_230 = arith.constant 512 : i32
      %mul3A_231 = arith.muli %scan3A_113, %mul3A_230 : i32
      %add3A_232 = arith.constant 16384 : i32
      %add3A_233 = arith.addi %add3A_232, %mul3A_231 : i32
      %add3A_234 = arith.constant 256 : i32
      %add3A_235 = arith.addi %add3A_233, %add3A_234 : i32
      %scan3A_236 = arith.constant 0 : i32
      %scan3A_237 = arith.constant 0 : i32
      %scan3A_238 = arith.constant 8 : i32
      %scan3A_239 = arith.addi %scan3A_237, %scan3A_238 : i32
      %scan3A_240 = arith.constant 1 : i32
      scf.for %scan3A_262 = %scan3A_237 to %scan3A_239 step %scan3A_240  : i32 {
        %mul3A_263 = arith.constant 16 : i32
        %mul3A_264 = arith.muli %scan3A_262, %mul3A_263 : i32
        %add3A_265 = vector.broadcast %mul3A_264 : i32 to vector<16xi32>
        %add3A_266 = arith.addi %add3A_265, %iota3A : vector<16xi32>
        %gather3A_267 = tpu.vector_load_idx %arg25[%add3A_266, %get3A_229] : memref<128x128xf32, #tpu.memory_space<vmem>>[vector<16xi32>, vector<16xi32>], vector<16xf32>,
        %mul3A_268 = arith.constant 16 : i32
        %mul3A_269 = arith.muli %scan3A_262, %mul3A_268 : i32
        %add3A_270 = arith.addi %add3A_235, %mul3A_269 : i32
        %swap3A = arith.index_cast %add3A_270 : i32 to index
        %swap3A_271 = tpu.vector_load %arg28[%swap3A] {strides = array<i32>} : memref<24576xf32, #tpu.memory_space<vmem>>, vector<16xf32>,
        tpu.vector_store %arg28[%swap3A], %gather3A_267 {strides = array<i32>} : memref<24576xf32, #tpu.memory_space<vmem>>, vector<16xf32>,
      }
      %scan3A_241 = arith.constant 8 : i32
      %add3A_242 = arith.constant 32 : i32
      %add3A_243 = arith.addi %add3A_242, %scan3A_113 : i32
      %mul3A_244 = arith.constant 16 : i32
      %mul3A_245 = arith.muli %add3A_243, %mul3A_244 : i32
      %get3A_246 = arith.index_cast %mul3A_245 : i32 to index
      %get3A_247 = tpu.vector_load %arg21[%get3A_246] {strides = array<i32>} : memref<768xi32, #tpu.memory_space<vmem>>, vector<16xi32>,
      %mul3A_248 = arith.constant 512 : i32
      %mul3A_249 = arith.muli %scan3A_113, %mul3A_248 : i32
      %add3A_250 = arith.constant 16384 : i32
      %add3A_251 = arith.addi %add3A_250, %mul3A_249 : i32
      %slice3A_252 = vector.extract_strided_slice %get3A_247 {offsets = [0], sizes = [1], strides = [1]} : vector<16xi32> to vector<1xi32>
      %squeeze3A_253 = vector.extract %slice3A_252[0] : i32 from vector<1xi32>
      %dma_start3A_254 = tpu.memref_slice %arg28[%add3A_251] : memref<24576xf32, #tpu.memory_space<vmem>> -> memref<512xf32, #tpu.memory_space<vmem>>
      %dma_start3A_255 = arith.constant 0 : i32
      %dma_start3A_256 = tpu.memref_slice %arg14[%squeeze3A_253, %dma_start3A_255] : memref<1536x512xf32, #tpu.memory_space<hbm>> -> memref<1x512xf32, #tpu.memory_space<hbm>>
      %dma_start3A_257 = tpu.memref_squeeze %dma_start3A_256 : memref<1x512xf32, #tpu.memory_space<hbm>> -> memref<512xf32, #tpu.memory_space<hbm>>
      %dma_start3A_258 = arith.constant 0 : i32
      %dma_start3A_259 = tpu.memref_slice %arg14[%squeeze3A_253, %dma_start3A_258] : memref<1536x512xf32, #tpu.memory_space<hbm>> -> memref<1x512xf32, #tpu.memory_space<hbm>>
      %dma_start3A_260 = tpu.memref_squeeze %dma_start3A_259 : memref<1x512xf32, #tpu.memory_space<hbm>> -> memref<512xf32, #tpu.memory_space<hbm>>
      %dma_start3A_261 = tpu.memref_slice %arg28[%add3A_251] : memref<24576xf32, #tpu.memory_space<vmem>> -> memref<512xf32, #tpu.memory_space<vmem>>
      tpu.enqueue_dma source(%dma_start3A_261 : memref<512xf32, #tpu.memory_space<vmem>>) target(%dma_start3A_260 : memref<512xf32, #tpu.memory_space<hbm>>) target_semaphore(%arg34 : memref<!tpu.dma_semaphore, #tpu.memory_space<semaphore_mem>>)
    }
    %scan3A_106 = arith.constant 16 : i32
    %scan3A_107 = arith.constant 0 : i32
    %scan3A_108 = arith.constant 0 : i32
    %scan3A_109 = arith.constant 48 : i32
    %scan3A_110 = arith.addi %scan3A_108, %scan3A_109 : i32
    %scan3A_111 = arith.constant 1 : i32
    scf.for %scan3A_113 = %scan3A_108 to %scan3A_110 step %scan3A_111  : i32 {
      %dma_wait3A_114 = arith.constant 0 : i32
      %dma_wait3A_115 = arith.constant 0 : i32
      %dma_wait3A_116 = tpu.memref_slice %arg28[%dma_wait3A_115] : memref<24576xf32, #tpu.memory_space<vmem>> -> memref<512xf32, #tpu.memory_space<vmem>>
      %dma_wait3A_117 = arith.constant 0 : i32
      %dma_wait3A_118 = tpu.memref_slice %arg14[%dma_wait3A_114, %dma_wait3A_117] : memref<1536x512xf32, #tpu.memory_space<hbm>> -> memref<1x512xf32, #tpu.memory_space<hbm>>
      %dma_wait3A_119 = tpu.memref_squeeze %dma_wait3A_118 : memref<1x512xf32, #tpu.memory_space<hbm>> -> memref<512xf32, #tpu.memory_space<hbm>>
      %dma_wait3A_120 = arith.constant 0 : i32
      %dma_wait3A_121 = tpu.memref_slice %arg14[%dma_wait3A_114, %dma_wait3A_120] : memref<1536x512xf32, #tpu.memory_space<hbm>> -> memref<1x512xf32, #tpu.memory_space<hbm>>
      %dma_wait3A_122 = tpu.memref_squeeze %dma_wait3A_121 : memref<1x512xf32, #tpu.memory_space<hbm>> -> memref<512xf32, #tpu.memory_space<hbm>>
      %dma_wait3A_123 = arith.constant 0 : i32
      %dma_wait3A_124 = tpu.memref_slice %arg28[%dma_wait3A_123] : memref<24576xf32, #tpu.memory_space<vmem>> -> memref<512xf32, #tpu.memory_space<vmem>>
      tpu.wait_dma2 semaphore(%arg34 : memref<!tpu.dma_semaphore, #tpu.memory_space<semaphore_mem>>) src(%dma_wait3A_124 : memref<512xf32, #tpu.memory_space<vmem>>) dst(%dma_wait3A_122 : memref<512xf32, #tpu.memory_space<hbm>>)
    }
    %scan3A_112 = arith.constant 48 : i32
    return
  }
}

module attributes {stable_mosaic.version = 14 : i64} {
  func.func @_tc_loss_body(%arg0: memref<1536x512xf32, #tpu.memory_space<vmem>>, %arg1: memref<1x1xf32, #tpu.memory_space<smem>>) attributes {dimension_semantics = [], scalar_prefetch = 0 : i64, scratch_operands = 0 : i64, tpu.core_type = #tpu.core_type<tc>} {
    %get3A = arith.constant 0 : index
    %get3A_0 = arith.constant 0 : index
    %get3A_1 = vector.load %arg0[%get3A, %get3A_0] : memref<1536x512xf32, #tpu.memory_space<vmem>>, vector<1536x512xf32>
    %slice3A = vector.extract_strided_slice %get3A_1 {offsets = [0, 0], sizes = [1536, 384], strides = [1, 1]} : vector<1536x512xf32> to vector<1536x384xf32>
    %slice3A_2 = vector.extract_strided_slice %get3A_1 {offsets = [0, 384], sizes = [1536, 1], strides = [1, 1]} : vector<1536x512xf32> to vector<1536x1xf32>
    %mul3A = arith.mulf %slice3A, %slice3A : vector<1536x384xf32>
    %reduce_sum3A = arith.constant dense<0.000000e+00> : vector<1536xf32>
    %reduce_sum3A_3 = vector.multi_reduction <add>, %mul3A, %reduce_sum3A [1] : vector<1536x384xf32> to vector<1536xf32>
    %broadcast_in_dim3A = vector.shape_cast %reduce_sum3A_3 : vector<1536xf32> to vector<1536x1xf32>
    %sqrt3A = math.sqrt %broadcast_in_dim3A : vector<1536x1xf32>
    %max3A = arith.constant 9.99999996E-13 : f32
    %max3A_4 = vector.broadcast %max3A : f32 to vector<1536x1xf32>
    %max3A_5 = arith.maximumf %sqrt3A, %max3A_4 : vector<1536x1xf32>
    %div3A = vector.broadcast %max3A_5 : vector<1536x1xf32> to vector<1536x384xf32>
    %div3A_6 = arith.divf %slice3A, %div3A : vector<1536x384xf32>
    %slice3A_7 = vector.extract_strided_slice %div3A_6 {offsets = [0, 0], sizes = [512, 384], strides = [1, 1]} : vector<1536x384xf32> to vector<512x384xf32>
    %slice3A_8 = vector.extract_strided_slice %div3A_6 {offsets = [512, 0], sizes = [1024, 384], strides = [1, 1]} : vector<1536x384xf32> to vector<1024x384xf32>
    %dot_general3A = arith.constant dense<0.000000e+00> : vector<512x1024xf32>
    %dot_general3A_9 = tpu.matmul %slice3A_7, %slice3A_8, %dot_general3A {dimension_numbers = #tpu.dot_dimension_numbers<[1], [1], [0], [0], [0, 0, 1, 0], [], []>, transpose_lhs_hint = false} : vector<512x384xf32>, vector<1024x384xf32>, vector<512x1024xf32> -> vector<512x1024xf32>
    %mul3A_10 = arith.constant 1.000000e+01 : f32
    %mul3A_11 = vector.broadcast %mul3A_10 : f32 to vector<512x1024xf32>
    %mul3A_12 = arith.mulf %dot_general3A_9, %mul3A_11 : vector<512x1024xf32>
    %slice3A_13 = vector.extract_strided_slice %slice3A_2 {offsets = [0, 0], sizes = [512, 1], strides = [1, 1]} : vector<1536x1xf32> to vector<512x1xf32>
    %slice3A_14 = vector.extract_strided_slice %slice3A_2 {offsets = [512, 0], sizes = [1024, 1], strides = [1, 1]} : vector<1536x1xf32> to vector<1024x1xf32>
    %transpose3A = tpu.transpose %slice3A_14, [1, 0] : vector<1024x1xf32> -> vector<1x1024xf32>
    %eq3A = vector.broadcast %slice3A_13 : vector<512x1xf32> to vector<512x1024xf32>
    %eq3A_15 = vector.broadcast %transpose3A : vector<1x1024xf32> to vector<512x1024xf32>
    %eq3A_16 = arith.cmpf oeq, %eq3A, %eq3A_15 : vector<512x1024xf32>
    %iota3A = tpu.iota {dimensions = array<i32: 0>} : vector<512x1024xi32>
    %iota3A_17 = tpu.iota {dimensions = array<i32: 1>} : vector<512x1024xi32>
    %ne3A = arith.cmpi ne, %iota3A, %iota3A_17 : vector<512x1024xi32>
    %and3A = arith.andi %eq3A_16, %ne3A : vector<512x1024xi1>
    %jit3A = arith.constant 1.000000e+00 : f32
    %jit3A_18 = arith.constant 0.000000e+00 : f32
    %broadcast_in_dim3A_19 = vector.broadcast %jit3A : f32 to vector<512x1024xf32>
    %broadcast_in_dim3A_20 = vector.broadcast %jit3A_18 : f32 to vector<512x1024xf32>
    %select_n3A = arith.select %and3A, %broadcast_in_dim3A_19, %broadcast_in_dim3A_20 : vector<512x1024xi1>, vector<512x1024xf32>
    %reduce_max3A = arith.constant dense<0xFF800000> : vector<512xf32>
    %reduce_max3A_21 = vector.multi_reduction <maximumf>, %mul3A_12, %reduce_max3A [1] : vector<512x1024xf32> to vector<512xf32>
    %broadcast_in_dim3A_22 = vector.shape_cast %reduce_max3A_21 : vector<512xf32> to vector<512x1xf32>
    %sub3A = vector.broadcast %broadcast_in_dim3A_22 : vector<512x1xf32> to vector<512x1024xf32>
    %sub3A_23 = arith.subf %mul3A_12, %sub3A : vector<512x1024xf32>
    %exp3A = math.exp %sub3A_23 : vector<512x1024xf32>
    %sub3A_24 = arith.constant 1.000000e+00 : f32
    %sub3A_25 = vector.broadcast %sub3A_24 : f32 to vector<512x1024xf32>
    %sub3A_26 = arith.subf %sub3A_25, %select_n3A : vector<512x1024xf32>
    %mul3A_27 = arith.mulf %exp3A, %sub3A_26 : vector<512x1024xf32>
    %reduce_sum3A_28 = arith.constant dense<0.000000e+00> : vector<512xf32>
    %reduce_sum3A_29 = vector.multi_reduction <add>, %mul3A_27, %reduce_sum3A_28 [1] : vector<512x1024xf32> to vector<512xf32>
    %broadcast_in_dim3A_30 = vector.shape_cast %reduce_sum3A_29 : vector<512xf32> to vector<512x1xf32>
    %add3A = vector.broadcast %broadcast_in_dim3A_30 : vector<512x1xf32> to vector<512x1024xf32>
    %add3A_31 = arith.addf %exp3A, %add3A : vector<512x1024xf32>
    %log3A = math.log %add3A_31 : vector<512x1024xf32>
    %sub3A_32 = arith.subf %sub3A_23, %log3A : vector<512x1024xf32>
    %reduce_sum3A_33 = arith.constant dense<0.000000e+00> : vector<512xf32>
    %reduce_sum3A_34 = vector.multi_reduction <add>, %select_n3A, %reduce_sum3A_33 [1] : vector<512x1024xf32> to vector<512xf32>
    %eq3A_35 = arith.constant 0.000000e+00 : f32
    %eq3A_36 = vector.broadcast %eq3A_35 : f32 to vector<512xf32>
    %eq3A_37 = arith.cmpf oeq, %reduce_sum3A_34, %eq3A_36 : vector<512xf32>
    %jit3A_38 = arith.constant 1.000000e+00 : f32
    %broadcast_in_dim3A_39 = vector.broadcast %jit3A_38 : f32 to vector<512xf32>
    %select_n3A_40 = arith.select %eq3A_37, %broadcast_in_dim3A_39, %reduce_sum3A_34 : vector<512xi1>, vector<512xf32>
    %mul3A_41 = arith.mulf %select_n3A, %sub3A_32 : vector<512x1024xf32>
    %reduce_sum3A_42 = arith.constant dense<0.000000e+00> : vector<512xf32>
    %reduce_sum3A_43 = vector.multi_reduction <add>, %mul3A_41, %reduce_sum3A_42 [1] : vector<512x1024xf32> to vector<512xf32>
    %div3A_44 = arith.divf %reduce_sum3A_43, %select_n3A_40 : vector<512xf32>
    %reduce_sum3A_45 = vector.shape_cast %div3A_44 : vector<512xf32> to vector<1x512xf32>
    %reduce_sum3A_46 = arith.constant dense<0.000000e+00> : vector<1xf32>
    %reduce_sum3A_47 = vector.multi_reduction <add>, %reduce_sum3A_45, %reduce_sum3A_46 [1] : vector<1x512xf32> to vector<1xf32>
    %reduce_sum3A_48 = vector.shape_cast %reduce_sum3A_47 : vector<1xf32> to vector<1x1xf32>
    %reduce_sum3A_49 = vector.extract %reduce_sum3A_48[0, 0] : f32 from vector<1x1xf32>
    %div3A_50 = arith.constant 5.120000e+02 : f32
    %div3A_51 = arith.divf %reduce_sum3A_49, %div3A_50 : f32
    %neg3A = arith.constant 0.000000e+00 : f32
    %neg3A_52 = arith.subf %neg3A, %div3A_51 : f32
    %swap3A = arith.constant 0 : index
    %swap3A_53 = arith.constant 0 : index
    %swap3A_54 = memref.load %arg1[%swap3A, %swap3A_53] : memref<1x1xf32, #tpu.memory_space<smem>>
    memref.store %neg3A_52, %arg1[%swap3A, %swap3A_53] : memref<1x1xf32, #tpu.memory_space<smem>>
    return
  }
}

</mosaic_0001>

<sc_bundles>
// kernel: kernel.4.cloned.1.call-start
scs
__scs_entry_jumppad:
0x0: {  	(pc) =	sbr.rel $0x88, $3  }
0x1: {  	(tag) =	ssettag $0x0;
	lr =	simm.s32 $0x1  }
0x2: {  	[smem:$0x3F9D] =	sst lr;
	_ =	strace $0xD0000000  }
0x3: {  	_ = 	snop  }
0x4: {  	_ = 	snop  }
0x5: {  	_ = 	snop  }
0x6: {  	_ = 	snop  }
0x7: {  	_ = 	snop  }
__scs_overlays_trampoline_lowered:
0x8: {  	[smem:$0x3FAC] =	sst s0  }
0x9: {  	[smem:$0x3FAD] =	sst s1  }
0xa: {  	[smem:$0x3FAE] =	sst s2  }
0xb: {  	[smem:$0x3FAF] =	sst s3  }
0xc: {  	[smem:$0x3FB0] =	sst s4  }
0xd: {  	[smem:$0x3FB1] =	sst s5  }
0xe: {  	[smem:$0x3FB2] =	sst s6  }
0xf: {  	[smem:$0x3FB3] =	sst s7  }
0x10: {  	[smem:$0x3FB4] =	sst s8  }
0x11: {  	[smem:$0x3FB5] =	sst s9;
	s0 =	simm.s32 @!p0 $0x0  }
0x12: {  	s1 =	sld [smem:$0x3F9B];
	s0 =	simm.s32 @p0 $0x1  }
0x13: {  	[smem:$0x3FB6] =	sst s0;
	s0 =	simm.s32 @!p1 $0x0  }
0x14: {  	s2 =	sld [smem:$0x3F9A];
	s0 =	simm.s32 @p1 $0x1  }
0x15: {  	[smem:$0x3FB7] =	sst s0;
	s0 =	simm.s32 @!p2 $0x0  }
0x16: {  	s3 =	sld [smem:$0x3FDB];
	s0 =	simm.s32 @p2 $0x1  }
0x17: {  	s4 =	simm.s32 $0x1BF5;
	[smem:$0x3FB9] =	sst s0  }
0x18: {  	s0 =	sld [smem:$0x3F9C];
	_ =	swait.ge [sflag:s4], $0x0  }
0x19: {  	s7 =	sld [smem:$0x3F9D]  }
0x1a: {  	s8 =	sadd.s32 $0xFFFFE003, lr  }
0x1b: {  	s9 =	sadd.s32 $0xFFFFFEF7, lr;
	s5 =	simm.s32 $0xFFFFFFFF;
	p2 =	slt.u32 s8, $0xFFFFF086  }
0x1c: {  	p1 =	slt.u32 s9, $0xF7A;
	s5 =	simm.s32 @!p2 $0x0  }
0x1d: {  	s5 =	simm.s32 @p1 $0x1;
	p0 =	seq.s32 s7, s2  }
0x1e: {  	s7 =	smul.u32 @!p0 $0xF7A, s2;
	p2 =	seq.s32 @!p0 s5, $0x0  }
0x1f: {  	s9 =	smul.u32 $0xF7A, s1;
	s8 =	simm.s32 @!p0 $0x1BF5;
	p2 =	por !p2, p0  }
0x20: {  	[sflag:s8] =	ssyncset.s32 @!p0 $0xFFFFF086;
	s6 =	sadd.s32 @!p0 s3, s7;
	s7 =	simm.s32 @!p0 $0x108  }
0x21: {  	s3 =	sadd.s32 s3, s9;
	s6 =	sadd.s32 @!p0 $0x88, s6;
	s7 =	simm.s32 @p2 $0x1082  }
0x22: {  	[simem:s7], [sflag:s8] =	dma.local @!p0 [hbm:s6], $0xF7A  }
0x23: {  	s9 =	sor.u32 $0xD0000000, s2;
	s6 =	simm.s32 $0x108;
	_ =	swait.ge @!p0 [sflag:s8], $0x0  }
0x24: {  	s3 =	sadd.s32 $0x88, s3;
	s6 =	simm.s32 @!p1 $0x1082;
	[sflag:s4] =	ssyncset.s32 $0xFFFFF086  }
0x25: {  	[simem:s6], [sflag:s4] =	dma.local [hbm:s3], $0xF7A  }
0x26: {  	[smem:$0x3F9D] =	sst s1;
	(tag) =	ssettag s2;
	_ =	strace s9  }
0x27: {  	s1 =	sld [smem:$0x3FAD]  }
0x28: {  	s2 =	sld [smem:$0x3FAE]  }
0x29: {  	s4 =	sld [smem:$0x3FB0]  }
0x2a: {  	p0 =	seq.s32 s5, $0x0;
	s5 =	sld [smem:$0x3FB1]  }
0x2b: {  	s6 =	sld [smem:$0x3FB2]  }
0x2c: {  	s7 =	sld [smem:$0x3FB3]  }
0x2d: {  	s3 =	simm.s32 $0x108;
	s8 =	sld [smem:$0x3FB4]  }
0x2e: {  	s3 =	simm.s32 @!p0 $0x1082;
	s9 =	sld [smem:$0x3FB5]  }
0x2f: {  	lr =	sadd.s32 s0, s3;
	s0 =	sld [smem:$0x3FAC]  }
0x30: {  	s3 =	sld [smem:$0x3FAF]  }
0x31: {  	[smem:$0x3FB8] =	sst s10  }
0x32: {  	s10 =	sld [smem:$0x3FB6];
	_ =	sdelay $0x3  }
0x33: {  	p0 =	seq.s32 s10, $0x1;
	s10 =	sld [smem:$0x3FB8];
	_ =	sdelay $0x3  }
0x34: {  	[smem:$0x3FB8] =	sst s10  }
0x35: {  	s10 =	sld [smem:$0x3FB7];
	_ =	sdelay $0x3  }
0x36: {  	p1 =	seq.s32 s10, $0x1;
	s10 =	sld [smem:$0x3FB8];
	_ =	sdelay $0x3  }
0x37: {  	[smem:$0x3FB8] =	sst s10  }
0x38: {  	s10 =	sld [smem:$0x3FB9]  }
0x39: {  	_ = 	snop;
	(pc) =	sbr.ind lr, $3  }
0x3a: {  	_ = 	snop  }
0x3b: {  	_ = 	snop  }
0x3c: {  	p2 =	seq.s32 s10, $0x1;
	s10 =	sld [smem:$0x3FB8]  }
0x3d: {  	_ =	shalt  }
0x3e: {  	_ =	shalt  }
0x3f: {  	_ =	shalt  }
0x40: {  	_ =	shalt  }
0x41: {  	_ =	shalt  }
0x42: {  	_ =	shalt  }
0x43: {  	_ =	shalt  }
0x44: {  	_ =	shalt  }
0x45: {  	_ =	shalt  }
0x46: {  	_ =	shalt  }
0x47: {  	_ =	shalt  }
0x48: {  	_ =	shalt  }
0x49: {  	_ =	shalt  }
0x4a: {  	_ =	shalt  }
0x4b: {  	_ =	shalt  }
0x4c: {  	_ =	shalt  }
0x4d: {  	_ =	shalt  }
0x4e: {  	_ =	shalt  }
0x4f: {  	_ =	shalt  }
0x50: {  	_ =	shalt  }
0x51: {  	_ =	shalt  }
0x52: {  	_ =	shalt  }
0x53: {  	_ =	shalt  }
0x54: {  	_ =	shalt  }
0x55: {  	_ =	shalt  }
0x56: {  	_ =	shalt  }
0x57: {  	_ =	shalt  }
0x58: {  	_ =	shalt  }
0x59: {  	_ =	shalt  }
0x5a: {  	_ =	shalt  }
0x5b: {  	_ =	shalt  }
0x5c: {  	_ =	shalt  }
0x5d: {  	_ =	shalt  }
0x5e: {  	_ =	shalt  }
0x5f: {  	_ =	shalt  }
0x60: {  	_ =	shalt  }
0x61: {  	_ =	shalt  }
0x62: {  	_ =	shalt  }
0x63: {  	_ =	shalt  }
0x64: {  	_ =	shalt  }
0x65: {  	_ =	shalt  }
0x66: {  	_ =	shalt  }
0x67: {  	_ =	shalt  }
0x68: {  	_ =	shalt  }
0x69: {  	_ =	shalt  }
0x6a: {  	_ =	shalt  }
0x6b: {  	_ =	shalt  }
0x6c: {  	_ =	shalt  }
0x6d: {  	_ =	shalt  }
0x6e: {  	_ =	shalt  }
0x6f: {  	_ =	shalt  }
0x70: {  	_ =	shalt  }
0x71: {  	_ =	shalt  }
0x72: {  	_ =	shalt  }
0x73: {  	_ =	shalt  }
0x74: {  	_ =	shalt  }
0x75: {  	_ =	shalt  }
0x76: {  	_ =	shalt  }
0x77: {  	_ =	shalt  }
0x78: {  	_ =	shalt  }
0x79: {  	_ =	shalt  }
0x7a: {  	_ =	shalt  }
0x7b: {  	_ =	shalt  }
0x7c: {  	_ =	shalt  }
0x7d: {  	_ =	shalt  }
0x7e: {  	_ =	shalt  }
0x7f: {  	_ =	shalt  }
0x80: {  	_ =	shalt  }
0x81: {  	_ =	shalt  }
0x82: {  	_ =	shalt  }
0x83: {  	_ =	shalt  }
0x84: {  	_ =	shalt  }
0x85: {  	_ =	shalt  }
0x86: {  	_ =	shalt  }
0x87: {  	_ =	shalt  }
.Lfunc_end0:
.L_simem_size_0:
called_computation_lowered:
.L_overlay_start_0:
0x88: {  	s2 =	sld [smem:$0x3FD9]  }
0x89: {  	s3 =	sld [smem:$0x3FFE];
	_ =	sdelay $0x1  }
0x8a: {  	s1 =	srdreg.scid  }
0x8b: {  	s0 =	sand.u32 $0x1, s1  }
0x8c: {  	s17 =	sshll.u32 s0, $0xA;
	s2 =	sadd.s32 s3, s2  }
0x8d: {  	s2 =	sadd.s32 s2, s17  }
0x8e: {  	[smem:$0x3FC4] =	sst s2  }
0x8f: {  	_ = 	snop  }
0x90: {  	s2 =	sld [smem:$0x3FC9]  }
0x91: {  	s18 =	sld [smem:$0x3FC8]  }
0x92: {  	s4 =	sld [smem:$0x3FC7]  }
0x93: {  	s5 =	sld [smem:$0x3FC6];
	(tm) =	ssettm $0x1  }
0x94: {  	s6 =	sld [smem:$0x3FFB];
	_ =	sdelay $0x3  }
0x95: {  	_ =	strace s6  }
0x96: {  	s6 =	sld [smem:$0x3FFC];
	_ =	sdelay $0x3  }
0x97: {  	_ =	strace s6  }
0x98: {  	s6 =	sld [smem:$0x3FFD];
	_ =	sdelay $0x3  }
0x99: {  	_ =	strace s6  }
0x9a: {  	_ =	strace $0x8FFFFFFF  }
0x9b: {  	s19 =	sld [smem:$0x3FDB];
	_ =	sdelay $0x1  }
0x9c: {  	s7 =	simm.s32 $_scs_section_size  }
0x9d: {  	s8 =	simm.s32 $_size__tile_overlayer_lowered;
	s9 =	simm.s32 $_tile_overlayer_lowered  }
0x9e: {  	s22 =	simm.s32 $0x1BFF;
	s21 =	sshll.u32 s9, $0x1;
	s6 =	sadd.s32 s7, s19  }
0x9f: {  	s10 =	simm.s32 $0x0;
	s20 =	sshll.u32 s8, $0x1;
	s8 =	sadd.s32 s21, s6  }
0xa0: {  	[timem:s10], [sflag:s22] =	dma.local [hbm:s8], s20  }
0xa1: {  	_ =	swait.ge [sflag:s22], s20  }
0xa2: {  	s7 =	ssub.s32 $0x0, s20;
	[sflag:s22] =	ssyncset.done $0x0  }
0xa3: {  	[sflag:s22] =	ssyncadd.s32 s7;
	_ =	sdelay $0x1  }
0xa4: {  	s23 =	simm.s32 $0x1B8B  }
0xa5: {  	_ =	swait.ge [sflag:s23], $0x1  }
0xa6: {  	[sflag:s23] =	ssyncset.done $0x0  }
0xa7: {  	s25 =	simm.s32 $0x1B8E;
	s24 =	sld [smem:$0x3FFE];
	[sflag:s23] =	ssyncadd.s32 $0xFFFFFFFF  }
0xa8: {  	s26 =	simm.s32 $execute0_lowered;
	[smem:$0x3FD2] =	sst s25  }
0xa9: {  	s8 =	sshll.u32 s26, $0x1;
	_ =	strace $0x80000046;
	[dreg:$0x1] =	wrdreg $0xFFFFFFFF  }
0xaa: {  	s28 =	simm.s32 $_size_execute0_lowered;
	s6 =	sadd.s32 s6, s8;
	[dreg:$0x0] =	wrdreg $0x0  }
0xab: {  	s8 =	sshll.u32 s28, $0x1;
	[dreg:$0x2] =	wrdreg s6  }
0xac: {  	[dreg:$0x3] =	wrdreg s8  }
0xad: {  	[dreg:$0x4] =	wrdreg $0xC0  }
0xae: {  	_ =	task [dreg:s10], $0x5FFFF  }
0xaf: {  	[dreg:$0x1] =	wrdreg $0xFFFFFFFF  }
0xb0: {  	[dreg:$0x0] =	wrdreg $0x60  }
0xb1: {  	[dreg:$0x2] =	wrdreg s2  }
0xb2: {  	[dreg:$0x3] =	wrdreg s4  }
0xb3: {  	[dreg:$0x4] =	wrdreg s18  }
0xb4: {  	[dreg:$0x5] =	wrdreg s5  }
0xb5: {  	[dreg:$0x6] =	wrdreg s24  }
0xb6: {  	[dreg:$0x7] =	wrdreg $0x9  }
0xb7: {  	_ =	task.clear_ibuf [dreg:s10], $0x8FFFF;
	_ =	strace $0x90000046  }
0xb8: {  	s29 =	simm.s32 $0x9;
	_ =	strace $0x80000048  }
0xb9: {  	_ =	swait.ge [sflag:s29], $0x1  }
0xba: {  	[sflag:s29] =	ssyncadd.s32 $0xFFFFFFFF  }
0xbb: {  	_ =	strace $0x90000048  }
0xbc: {  	_ =	sfence  }
0xbd: {  	s30 =	sld [smem:$0x0];
	_ =	sdelay $0x2  }
0xbe: {  	s31 =	sshll.u32 s1, $0xD;
	s1 =	sshrl.u32 s1, $0x2  }
0xbf: {  	s3 =	sand.u32 $0x4000, s31;
	s1 =	sadd.s32 s1, s30  }
0xc0: {  	s0 =	sor.u32 s3, s0;
	s1 =	sshll.u32 s1, $0x11  }
0xc1: {  	s0 =	sor.u32 s1, s0  }
0xc2: {  	s0 =	sadd.s32 $0x8F2B, s0  }
0xc3: {  	[sflag:s0] =	ssyncadd.remote.s32 $0x1  }
0xc4: {  	_ =	sfence.sel $0xFFFF  }
0xc5: {  	[dreg:$0x0] =	wrdreg $0xFFFFFFFF;
	(pc) =	sbr.abs _section_cstart, $3  }
0xc6: {  	[dreg:$0x1] =	wrdreg $0xFFFFFFFF  }
0xc7: {  	_ =	task.clear_ibuf [dreg:s10], $0x2FFFF;
	_ =	strace $0x9FFFFFFF  }
0xc8: {  	(tm) =	ssettm $0x7FFFFFFF  }
0xc9: {  	_ =	shalt  }
tec
execute0_lowered:
.L_overlay_start_1:
0x0: {  	(tag) =	ssettag $0x1  }
0x1: {  	s1 =	rddreg [dreg:$0x0]  }
0x2: {  	s2 =	rddreg [dreg:$0x1]  }
0x3: {  	s4 =	rddreg [dreg:$0x2]  }
0x4: {  	s14 =	rddreg [dreg:$0x3];
	s7 =	stileid.u32  }
0x5: {  	s0 =	rddreg [dreg:$0x4];
	s6 =	simm.s32 $0x0;
	s5 =	sshrl.u32 s7, $0x2  }
0x6: {  	s3 =	srdreg.scid;
	s30 =	simm.s32 $0x11E80;
	s8 =	smul.u32 $0x18000, s5  }
0x7: {  	s28 =	simm.s32 $0x6;
	s29 =	simm.s32 $0x0;
	s10 =	smul.u32 $0xC000, s5  }
0x8: {  	s3 =	sand.u32 $0x1, s3;
	s7 =	sshll.u32 s7, $0x8;
	s18 =	smul.u32 $0x3000, s5  }
0x9: {  	[smem:$0x7FF] =	sst s6;
	s16 =	sadd.s32 $0x100, s4;
	s11 =	smul.u32 $0x3400, s5  }
0xa: {  	v8 =	vlaneseq.u32;
	s17 =	sadd.s32 $0x100, s14;
	s9 =	sshll.u32 s3, $0x7;
	s12 =	smul.u32 $0x1C00, s5  }
0xb: {  	vm0 =	vmmov $0xffff;
	v2 =	vimm.s32 $0x1380;
	vm1 =	vcmask $0x300;
	s7 =	sand.u32 $0x300, s7;
	_ =	strace $0x80000047;
	s13 =	smul.u32 $0x1800, s5  }
0xc: {  	vm2 =	vcmask $0x704;
	v3 =	vimm.s32 $0x3380;
	vm3 =	vcmask $0xB08;
	s5 =	sshll.u32 s5, $0xA;
	s3 =	ssub.s32 $0x2, s3;
	s7 =	sor.u32 s9, s7  }
0xd: {  	v1 =	vshrl.u32 v8, $0x3;
	v0 =	vand.u32 $0x7, v8;
	v2 =	vsel vm1, $0x0, v2;
	s19 =	sshrl.u32 s3, $0x1;
	s8 =	sor.u32 s8, s7;
	s9 =	sor.u32 s10, s7  }
0xe: {  	v3 =	vsel vm1, $0x2000, v3;
	vm1 =	vcmask $0xF0C;
	v7 =	vmul.u32 $0x200, v8;
	s10 =	sor.u32 s18, s7;
	s11 =	sor.u32 s11, s7;
	s12 =	sor.u32 s12, s7  }
0xf: {  	v1 =	vmul.u32 $0x8, v1;
	v2 =	vsel vm2, $0x80, v2;
	v3 =	vsel vm2, $0x2080, v3;
	s13 =	sor.u32 s13, s7;
	s5 =	sor.u32 s5, s7;
	s7 =	sadd.s32 $0x18000, s0  }
0x10: {  	vm2 =	vcmask $0x1310;
	v2 =	vsel vm3, $0x100, v2;
	v3 =	vsel vm3, $0x2100, v3;
	s8 =	sshrl.u32 s8, $0x3;
	s9 =	sshrl.u32 s9, $0x3;
	s10 =	sshrl.u32 s10, $0x3  }
0x11: {  	vm3 =	vcmask $0x1714;
	v6 =	vor.u32 $0x2180, v7;
	v2 =	vsel vm1, $0x180, v2;
	s11 =	sshrl.u32 s11, $0x3;
	s12 =	sshrl.u32 s12, $0x3;
	s8 =	sadd.s32 s8, s0  }
0x12: {  	v3 =	vsel vm1, $0x2180, v3;
	vm1 =	vcmask $0x1B18;
	s13 =	sshrl.u32 s13, $0x3;
	v2 =	vsel vm2, $0x200, v2;
	s9 =	sadd.s32 s9, s0;
	s20 =	sadd.s32 $0xC000, s8  }
0x13: {  	v3 =	vsel vm2, $0x2200, v3;
	vm2 =	vcmask $0x1F1C;
	s10 =	sadd.s32 s10, s0;
	v2 =	vsel vm3, $0x280, v2;
	s21 =	sadd.s32 $0x6000, s9;
	[dreg:$0x6] =	wrdreg s20  }
0x14: {  	s13 =	sadd.s32 s13, s0;
	v3 =	vsel vm3, $0x2280, v3;
	vm3 =	vcmask $0x2320;
	s22 =	sadd.s32 $0x4800, s10;
	v2 =	vsel vm1, $0x300, v2;
	[dreg:$0x7] =	wrdreg s21  }
0x15: {  	s11 =	sadd.s32 s11, s0;
	s23 =	sadd.s32 $0x3C00, s13;
	v3 =	vsel vm1, $0x2300, v3;
	vm1 =	vcmask $0x2724;
	[dreg:$0x8] =	wrdreg s22;
	v2 =	vsel vm2, $0x380, v2  }
0x16: {  	s12 =	sadd.s32 s12, s0;
	s24 =	sadd.s32 $0x2200, s11;
	[dreg:$0x9] =	wrdreg s23;
	v3 =	vsel vm2, $0x2380, v3;
	vm2 =	vcmask $0x2B28;
	v2 =	vsel vm3, $0x1000, v2  }
0x17: {  	s5 =	sshrl.u32 s5, $0x3;
	s25 =	sadd.s32 $0x1400, s12;
	[dreg:$0xa] =	wrdreg s24;
	v3 =	vsel vm3, $0x3000, v3;
	vm3 =	vcmask $0x2F2C;
	v2 =	vsel vm1, $0x1080, v2  }
0x18: {  	s5 =	sadd.s32 s5, s0;
	s26 =	sadd.s32 $0x800, s13;
	[dreg:$0xb] =	wrdreg s25;
	v3 =	vsel vm1, $0x3080, v3;
	vm1 =	vcmask $0x3330;
	v2 =	vsel vm2, $0x1100, v2  }
0x19: {  	s0 =	ssub.s32 s3, s19;
	s31 =	sadd.s32 $0x600, s5;
	[dreg:$0xc] =	wrdreg s26;
	v3 =	vsel vm2, $0x3100, v3;
	vm2 =	vcmask $0x3734;
	v4 =	vsel vm3, $0x1180, v2  }
0x1a: {  	s19 =	simm.s32 $0x80;
	s0 =	smax.u32 s0, $0x1;
	[dreg:$0xd] =	wrdreg s31;
	v2 =	vor.u32 $0x8, v8;
	v3 =	vsel vm3, $0x3180, v3;
	v4 =	vsel vm1, $0x1200, v4  }
0x1b: {  	s3 =	simm.s32 $0x5;
	[dreg:$0xe] =	wrdreg s0;
	s20 =	simm.s32 $0x400;
	v3 =	vsel vm1, $0x3200, v3;
	vm1 =	vcmask $0x3B38;
	v4 =	vsel vm2, $0x1280, v4  }
0x1c: {  	s21 =	simm.s32 $0x7;
	s0 =	simm.s32 $0x4;
	s22 =	simm.s32 $0x17E80;
	v8 =	vmul.u32 $0x80, v8;
	v5 =	vsel vm2, $0x3280, v3;
	v3 =	vsel vm1, $0x1300, v4  }
0x1d: {  	s23 =	simm.s32 $0x5E80;
	s24 =	simm.s32 $0x9E80;
	s25 =	simm.s32 $0xDE80;
	v4 =	vor.u32 $0x180, v7;
	v5 =	vsel vm1, $0x3300, v5;
	v7 =	vor.u32 $0x4180, v7  }
.LBB2_1:
0x1e: {  	s5 =	rddreg [dreg:$0x6]  }
0x1f: {  	[tilespmem:s6], [sflag:$0x7] =	stream.strided.gather [hbm4b:s5+s19], $0x3000, s20, s19, $0x38;
	[tilespmem:$0x1DE80] =	vst v63  }
0x20: {  	_ =	swait.ge [sflag:s21], $0x3000  }
0x21: {  	[sflag:s21] =	ssyncset.done $0x0  }
0x22: {  	s8 =	simm.s32 $0x3000;
	s14 =	rddreg [dreg:$0x7];
	[sflag:s21] =	ssyncadd.s32 $0xFFFFD000  }
0x23: {  	[tilespmem:s8], [sflag:$0x7] =	stream.strided.gather [hbm4b:s14+s19], $0x1800, s20, s19, $0x38;
	[tilespmem:$0x1DE80] =	vst v63  }
0x24: {  	_ =	swait.ge [sflag:s21], $0x1800  }
0x25: {  	[sflag:s21] =	ssyncset.done $0x0  }
0x26: {  	s18 =	simm.s32 $0x4800;
	s15 =	rddreg [dreg:$0x8];
	[sflag:s21] =	ssyncadd.s32 $0xFFFFE800  }
0x27: {  	[tilespmem:s18], [sflag:$0x7] =	stream.strided.gather [hbm4b:s15+s19], $0x600, s20, s19, $0x38;
	[tilespmem:$0x1DE80] =	vst v63  }
0x28: {  	_ =	swait.ge [sflag:s21], $0x600  }
0x29: {  	[sflag:s21] =	ssyncset.done $0x0  }
0x2a: {  	s31 =	simm.s32 $0x4E00;
	s26 =	rddreg [dreg:$0x9];
	[sflag:s21] =	ssyncadd.s32 $0xFFFFFA00  }
0x2b: {  	[tilespmem:s31], [sflag:$0x7] =	stream.strided.gather [hbm4b:s26+s19], $0x300, s20, s19, $0x38;
	[tilespmem:$0x1DE80] =	vst v63  }
0x2c: {  	_ =	swait.ge [sflag:s21], $0x300  }
0x2d: {  	[sflag:s21] =	ssyncset.done $0x0  }
0x2e: {  	s10 =	simm.s32 $0x5100;
	s9 =	rddreg [dreg:$0xa];
	[sflag:s21] =	ssyncadd.s32 $0xFFFFFD00  }
0x2f: {  	[tilespmem:s10], [sflag:$0x7] =	stream.strided.gather [hbm4b:s9+s19], $0x680, s20, s19, $0x38;
	[tilespmem:$0x1DE80] =	vst v63  }
0x30: {  	_ =	swait.ge [sflag:s21], $0x680  }
0x31: {  	[sflag:s21] =	ssyncset.done $0x0  }
0x32: {  	s12 =	simm.s32 $0x5780;
	s11 =	rddreg [dreg:$0xb];
	[sflag:s21] =	ssyncadd.s32 $0xFFFFF980  }
0x33: {  	[tilespmem:s12], [sflag:$0x7] =	stream.strided.gather [hbm4b:s11+s19], $0x380, s20, s19, $0x38;
	[tilespmem:$0x1DE80] =	vst v63  }
0x34: {  	_ =	swait.ge [sflag:s21], $0x380  }
0x35: {  	[sflag:s21] =	ssyncset.done $0x0  }
0x36: {  	s14 =	simm.s32 $0x5B00;
	s13 =	rddreg [dreg:$0xc];
	[sflag:s21] =	ssyncadd.s32 $0xFFFFFC80  }
0x37: {  	[tilespmem:s14], [sflag:$0x7] =	stream.strided.gather [hbm4b:s13+s19], $0x300, s20, s19, $0x38;
	[tilespmem:$0x1DE80] =	vst v63  }
0x38: {  	_ =	swait.ge [sflag:s21], $0x300  }
0x39: {  	[sflag:s21] =	ssyncset.done $0x0  }
0x3a: {  	s18 =	simm.s32 $0x5E00;
	s15 =	rddreg [dreg:$0xd];
	[sflag:s21] =	ssyncadd.s32 $0xFFFFFD00  }
0x3b: {  	[tilespmem:s18], [sflag:$0x7] =	stream.linear.gather [hbm4b:s15+s6], $0x80, $0x38;
	[tilespmem:$0x1DE80] =	vst v63  }
0x3c: {  	_ =	swait.ge [sflag:s21], $0x80  }
0x3d: {  	[sflag:s21] =	ssyncset.done $0x0  }
0x3e: {  	[sflag:s21] =	ssyncadd.s32 $0xFFFFFF80  }
0x3f: {  	v9 =	vld [tilespmem:$0x5E00];
	_ =	sdelay $0x4  }
0x40: {  	v10 =	vshll.u32 v9, $0x2  }
0x41: {  	v9 =	vand.u32 $0x7, v9;
	v10 =	vand.u32 $0xFFFFFFE0, v10  }
0x42: {  	v9 =	vor.u32 v9, v10  }
0x43: {  	v10 =	vperm.xlane v9, v0;
	_ =	sdelay $0x1  }
0x44: {  	v10 =	vadd.s32 v1, v10;
	_ =	sdelay $0x1  }
0x45: {  	v9 =	vperm.xlane v9, v2;
	_ =	sdelay $0x1  }
0x46: {  	v9 =	vadd.s32 v1, v9  }
0x47: {  	[tilespmem:s30], [sflag:$0x4] =	stream.indirect_vreg.gather [hbm4b:s4+s6], $0x80, v10, vm0, $0xb8;
	[tilespmem:$0x1DE80] =	vst v63  }
0x48: {  	s26 =	simm.s32 $0x12680  }
0x49: {  	[tilespmem:s26], [sflag:$0x4] =	stream.indirect_vreg.gather [hbm4b:s16+s6], $0x80, v10, vm0, $0xb8;
	[tilespmem:$0x1DE80] =	vst v63  }
0x4a: {  	s31 =	simm.s32 $0x12E80  }
0x4b: {  	[tilespmem:s31], [sflag:$0x4] =	stream.indirect_vreg.gather [hbm4b:s4+s6], $0x80, v9, vm0, $0xb8;
	[tilespmem:$0x1DE80] =	vst v63  }
0x4c: {  	s8 =	simm.s32 $0x13680  }
0x4d: {  	[tilespmem:s8], [sflag:$0x4] =	stream.indirect_vreg.gather [hbm4b:s16+s6], $0x80, v9, vm0, $0xb8;
	[tilespmem:$0x1DE80] =	vst v63  }
0x4e: {  	v9 =	vld [tilespmem:$0x5E10];
	_ =	sdelay $0x4  }
0x4f: {  	v10 =	vshll.u32 v9, $0x2  }
0x50: {  	v9 =	vand.u32 $0x7, v9;
	v10 =	vand.u32 $0xFFFFFFE0, v10  }
0x51: {  	v9 =	vor.u32 v9, v10  }
0x52: {  	v10 =	vperm.xlane v9, v0;
	_ =	sdelay $0x1  }
0x53: {  	v10 =	vadd.s32 v1, v10;
	_ =	sdelay $0x1  }
0x54: {  	v9 =	vperm.xlane v9, v2;
	_ =	sdelay $0x1  }
0x55: {  	s9 =	simm.s32 $0x13E80;
	v9 =	vadd.s32 v1, v9  }
0x56: {  	[tilespmem:s9], [sflag:$0x4] =	stream.indirect_vreg.gather [hbm4b:s4+s6], $0x80, v10, vm0, $0xb8;
	[tilespmem:$0x1DE80] =	vst v63  }
0x57: {  	s10 =	simm.s32 $0x14680  }
0x58: {  	[tilespmem:s10], [sflag:$0x4] =	stream.indirect_vreg.gather [hbm4b:s16+s6], $0x80, v10, vm0, $0xb8;
	[tilespmem:$0x1DE80] =	vst v63  }
0x59: {  	s11 =	simm.s32 $0x14E80  }
0x5a: {  	[tilespmem:s11], [sflag:$0x4] =	stream.indirect_vreg.gather [hbm4b:s4+s6], $0x80, v9, vm0, $0xb8;
	[tilespmem:$0x1DE80] =	vst v63  }
0x5b: {  	s12 =	simm.s32 $0x15680  }
0x5c: {  	[tilespmem:s12], [sflag:$0x4] =	stream.indirect_vreg.gather [hbm4b:s16+s6], $0x80, v9, vm0, $0xb8;
	[tilespmem:$0x1DE80] =	vst v63  }
0x5d: {  	v9 =	vld [tilespmem:$0x5E20];
	_ =	sdelay $0x4  }
0x5e: {  	v10 =	vshll.u32 v9, $0x2  }
0x5f: {  	v9 =	vand.u32 $0x7, v9;
	v10 =	vand.u32 $0xFFFFFFE0, v10  }
0x60: {  	v9 =	vor.u32 v9, v10  }
0x61: {  	v10 =	vperm.xlane v9, v0;
	_ =	sdelay $0x1  }
0x62: {  	v10 =	vadd.s32 v1, v10;
	_ =	sdelay $0x1  }
0x63: {  	v9 =	vperm.xlane v9, v2;
	_ =	sdelay $0x1  }
0x64: {  	s14 =	simm.s32 $0x15E80;
	s13 =	rddreg [dreg:$0x3];
	v9 =	vadd.s32 v1, v9  }
0x65: {  	[tilespmem:s14], [sflag:$0x5] =	stream.indirect_vreg.gather [hbm4b:s13+s6], $0x80, v10, vm0, $0xb8;
	[tilespmem:$0x1DE80] =	vst v63  }
0x66: {  	s9 =	simm.s32 $0x16680  }
0x67: {  	[tilespmem:s9], [sflag:$0x5] =	stream.indirect_vreg.gather [hbm4b:s17+s6], $0x80, v10, vm0, $0xb8;
	[tilespmem:$0x1DE80] =	vst v63  }
0x68: {  	s15 =	simm.s32 $0x16E80  }
0x69: {  	[tilespmem:s15], [sflag:$0x5] =	stream.indirect_vreg.gather [hbm4b:s13+s6], $0x80, v9, vm0, $0xb8;
	[tilespmem:$0x1DE80] =	vst v63  }
0x6a: {  	s18 =	simm.s32 $0x17680  }
0x6b: {  	[tilespmem:s18], [sflag:$0x5] =	stream.indirect_vreg.gather [hbm4b:s17+s6], $0x80, v9, vm0, $0xb8;
	[tilespmem:$0x1DE80] =	vst v63  }
0x6c: {  	_ =	swait.ge [sflag:s0], $0x4000  }
0x6d: {  	[sflag:s0] =	ssyncset.done $0x0  }
0x6e: {  	[sflag:s0] =	ssyncadd.s32 $0xFFFFC000  }
0x6f: {  	_ =	swait.ge [sflag:s3], $0x2000  }
0x70: {  	[sflag:s3] =	ssyncset.done $0x0  }
0x71: {  	[sflag:s3] =	ssyncadd.s32 $0xFFFFE000  }
0x72: {  	v9 =	vld [tilespmem:$0x5E30];
	_ =	sdelay $0x4  }
0x73: {  	v10 =	vshll.u32 v9, $0x3  }
0x74: {  	v9 =	vand.u32 $0x7F, v9;
	v10 =	vand.u32 $0xFFFFFC00, v10  }
0x75: {  	v9 =	vor.u32 v9, v10  }
0x76: {  	v9 =	vadd.s32 v3, v9;
	_ =	sdelay $0x4  }
0x77: {  	v9 =	vld.idx.msk [tilespmem:v9+s30+$0x0], $0xffff;
	_ =	sdelay $0x4  }
0x78: {  	v9 =	vcvt.s32.f32 v9;
	_ =	sdelay $0x1  }
0x79: {  	[tilespmem:v4+s22+$0x0] =	vst.idx.msk $0xffff, v9  }
0x7a: {  	v9 =	vld [tilespmem:$0x5E40];
	_ =	sdelay $0x4  }
0x7b: {  	v10 =	vshll.u32 v9, $0x3  }
0x7c: {  	v9 =	vand.u32 $0x7F, v9;
	v10 =	vand.u32 $0xFFFFFC00, v10  }
0x7d: {  	v9 =	vor.u32 v9, v10  }
0x7e: {  	v9 =	vadd.s32 v5, v9;
	_ =	sdelay $0x4  }
0x7f: {  	v9 =	vld.idx.msk [tilespmem:v9+s30+$0x0], $0xffff;
	_ =	sdelay $0x4  }
0x80: {  	v9 =	vcvt.s32.f32 v9;
	_ =	sdelay $0x1  }
0x81: {  	[tilespmem:v6+s22+$0x0] =	vst.idx.msk $0xffff, v9  }
0x82: {  	v9 =	vld [tilespmem:$0x5E50];
	_ =	sdelay $0x4  }
0x83: {  	v10 =	vshll.u32 v9, $0x3  }
0x84: {  	v9 =	vand.u32 $0x7F, v9;
	v10 =	vand.u32 $0xFFFFFC00, v10  }
0x85: {  	v9 =	vor.u32 v9, v10  }
0x86: {  	v9 =	vadd.s32 v3, v9;
	_ =	sdelay $0x4  }
0x87: {  	v9 =	vld.idx.msk [tilespmem:v9+s14+$0x0], $0xffff;
	_ =	sdelay $0x4  }
0x88: {  	v9 =	vcvt.s32.f32 v9;
	_ =	sdelay $0x1  }
0x89: {  	[tilespmem:v7+s22+$0x0] =	vst.idx.msk $0xffff, v9  }
0x8a: {  	v9 =	vld [tilespmem:$0x5100];
	_ =	sdelay $0x4  }
0x8b: {  	(v2sf) =	vpush v9, $0x0;
	_ =	sdelay $0xe  }
0x8c: {  	s26 =	spop (v2sf)  }
0x8d: {  	p0 =	slt.s32 s26, $0x1  }
0x8e: {  	s5 =	simm.s32 @!p0 $0x80;
	s8 =	simm.s32 @!p0 $0x0;
	s9 =	simm.s32 @!p0 $0x5E80  }
0x8f: {  	[tilespmem:s9], [sflag:$0x1] =	stream.indirect.gather @!p0 [hbm4b:s1+s5], $0x80, s8, s5, $0xb8;
	[tilespmem:$0x1DE80] =	vst v63  }
0x90: {  	v9 =	vld [tilespmem:$0x5110];
	_ =	sdelay $0x4  }
0x91: {  	(v2sf) =	vpush v9, $0x0;
	_ =	sdelay $0xe  }
0x92: {  	s31 =	spop (v2sf)  }
0x93: {  	p0 =	slt.s32 s31, $0x1  }
0x94: {  	s10 =	simm.s32 $0x0;
	s5 =	simm.s32 @!p0 $0x80;
	s8 =	simm.s32 @!p0 $0x9E80  }
0x95: {  	[tilespmem:s8], [sflag:$0x2] =	stream.indirect.gather @!p0 [hbm4b:s1+s5], $0x80, s5, s5, $0xb8;
	[tilespmem:$0x1DE80] =	vst v63  }
0x96: {  	s9 =	simm.s32 $0x17E80;
	s5 =	simm.s32 $0x17F00;
	s8 =	simm.s32 $0x17F80  }
.LBB2_2:
0x97: {  	s13 =	smul.u32 $0x3, s10;
	_ =	sdelay $0x1  }
0x98: {  	s11 =	sadd.s32 $0x2, s13  }
0x99: {  	s12 =	sshll.u32 s11, $0x4  }
0x9a: {  	v9 =	vld [tilespmem:s12+$0x5100];
	_ =	sdelay $0x4  }
0x9b: {  	(v2sf) =	vpush v9, $0x0;
	_ =	sdelay $0xe  }
0x9c: {  	s14 =	spop (v2sf)  }
0x9d: {  	p0 =	slt.s32 s14, $0x1  }
0x9e: {  	s31 =	smul.u32 $0x30, s10;
	s11 =	sshll.u32 @!p0 s11, $0x7  }
0x9f: {  	s14 =	simm.s32 @!p0 $0x80;
	s15 =	simm.s32 @!p0 $0xDE80;
	s11 =	sand.u32 @!p0 $0x3FFFFF80, s11  }
0xa0: {  	[tilespmem:s15], [sflag:$0x3] =	stream.indirect.gather @!p0 [hbm4b:s1+s14], $0x80, s11, s14, $0xb8;
	[tilespmem:$0x1DE80] =	vst v63  }
0xa1: {  	v9 =	vld [tilespmem:s31+$0x5100];
	_ =	sdelay $0x4  }
0xa2: {  	(v2sf) =	vpush v9, $0x0;
	_ =	sdelay $0xe  }
0xa3: {  	s26 =	spop (v2sf)  }
0xa4: {  	p0 =	slt.s32 s26, $0x1  }
0xa5: {  	s11 =	simm.s32 @!p0 $0x1  }
0xa6: {  	_ =	swait.ge @!p0 [sflag:s11], $0x4000  }
0xa7: {  	[sflag:s11] =	ssyncset.done @!p0 $0x0  }
0xa8: {  	[sflag:s11] =	ssyncadd.s32 @!p0 $0xFFFFC000  }
0xa9: {  	v9 =	vld [tilespmem:s31+$0x4800]  }
0xaa: {  	s14 =	simm.s32 $0x0  }
0xab: {  	v10 =	vmov s14  }
0xac: {  	v10 =	vshll.u32 v10, $0x7  }
0xad: {  	v10 =	vor.u32 v8, v10  }
0xae: {  	v10 =	vadd.s32 v9, v10;
	_ =	sdelay $0x3  }
0xaf: {  	s15 =	simm.s32 $0x10  }
0xb0: {  	v12 =	vld.idx.msk [tilespmem:v10+s23+$0x0], $0xffff;
	v10 =	vmov s15  }
0xb1: {  	v10 =	vshll.u32 v10, $0x7  }
0xb2: {  	v10 =	vor.u32 v8, v10  }
0xb3: {  	v10 =	vadd.s32 v9, v10;
	_ =	sdelay $0x1  }
0xb4: {  	s18 =	sshll.u32 s10, $0xB  }
0xb5: {  	s26 =	simm.s32 $0x20;
	s11 =	sshra.s32 s18, $0x2  }
0xb6: {  	s14 =	smov.u32 s9;
	v11 =	vmov s26;
	s11 =	sadd.s32 $0x17E80, s11;
	s15 =	simm.s32 $0x30;
	[tilespmem:s9+$0x0] =	vst v12  }
.LBB2_3:
0xb7: {  	p0 =	sne.s32 s15, $0x70;
	v11 =	vshll.u32 v11, $0x7;
	v12 =	vld.idx.msk [tilespmem:v10+s23+$0x0], $0xffff  }
0xb8: {  	v10 =	vor.u32 v8, v11  }
.Ltmp0:
0xb9: {  	v10 =	vadd.s32 v9, v10;
	(pc) =	sbr.rel @p0 .LBB2_3-.Ltmp0, $3  }
0xba: {  	_ =	sdelay $0x1  }
0xbb: {  	s14 =	sadd.s32 $0x10, s14  }
0xbc: {  	v11 =	vmov s15;
	s15 =	sadd.s32 $0x10, s15;
	[tilespmem:s14+$0x0] =	vst v12  }
0xbd: {  	_ =	sdelay $0x2  }
0xbe: {  	v11 =	vshll.u32 v11, $0x7  }
0xbf: {  	v10 =	vld.idx.msk [tilespmem:v10+s23+$0x0], $0xffff;
	v11 =	vor.u32 v8, v11  }
0xc0: {  	v9 =	vadd.s32 v9, v11;
	_ =	sdelay $0x2  }
0xc1: {  	s14 =	sadd.s32 $0x10, s14  }
0xc2: {  	[tilespmem:s14+$0x0] =	vst v10  }
0xc3: {  	v9 =	vld.idx.msk [tilespmem:v9+s23+$0x0], $0xffff;
	_ =	sdelay $0x2  }
0xc4: {  	s15 =	sadd.s32 $0x3, s13  }
0xc5: {  	s18 =	sshll.u32 s15, $0x4;
	s14 =	sadd.s32 $0x10, s14  }
0xc6: {  	s26 =	sand.u32 $0x3FFFFFF0, s18;
	[tilespmem:s14+$0x0] =	vst v9  }
0xc7: {  	v9 =	vld [tilespmem:s26+$0x5100];
	_ =	sdelay $0x4  }
0xc8: {  	(v2sf) =	vpush v9, $0x0;
	_ =	sdelay $0xe  }
0xc9: {  	s18 =	spop (v2sf)  }
0xca: {  	p0 =	slt.s32 s18, $0x1  }
0xcb: {  	s14 =	sshll.u32 @!p0 s15, $0x7  }
0xcc: {  	s15 =	simm.s32 @!p0 $0x80;
	s18 =	simm.s32 @!p0 $0x5E80;
	s14 =	sand.u32 @!p0 $0x3FFFFF80, s14  }
0xcd: {  	[tilespmem:s18], [sflag:$0x1] =	stream.indirect.gather @!p0 [hbm4b:s1+s15], $0x80, s14, s15, $0xb8;
	[tilespmem:$0x1DE80] =	vst v63  }
0xce: {  	v9 =	vld [tilespmem:s31+$0x5110];
	_ =	sdelay $0x4  }
0xcf: {  	(v2sf) =	vpush v9, $0x0;
	_ =	sdelay $0xe  }
0xd0: {  	s26 =	spop (v2sf)  }
0xd1: {  	p0 =	slt.s32 s26, $0x1  }
0xd2: {  	s14 =	simm.s32 @!p0 $0x2  }
0xd3: {  	_ =	swait.ge @!p0 [sflag:s14], $0x4000  }
0xd4: {  	[sflag:s14] =	ssyncset.done @!p0 $0x0  }
0xd5: {  	s31 =	sadd.s32 $0x10, s31;
	[sflag:s14] =	ssyncadd.s32 @!p0 $0xFFFFC000  }
0xd6: {  	v9 =	vld [tilespmem:s31+$0x4800]  }
0xd7: {  	s18 =	simm.s32 $0x0  }
0xd8: {  	v10 =	vmov s18  }
0xd9: {  	v10 =	vshll.u32 v10, $0x7  }
0xda: {  	v10 =	vor.u32 v8, v10  }
0xdb: {  	v10 =	vadd.s32 v9, v10;
	_ =	sdelay $0x3  }
0xdc: {  	s26 =	simm.s32 $0x10  }
0xdd: {  	v12 =	vld.idx.msk [tilespmem:v10+s24+$0x0], $0xffff;
	v10 =	vmov s26  }
0xde: {  	v10 =	vshll.u32 v10, $0x7  }
0xdf: {  	v10 =	vor.u32 v8, v10  }
0xe0: {  	v10 =	vadd.s32 v9, v10;
	_ =	sdelay $0x2  }
0xe1: {  	s31 =	simm.s32 $0x20  }
0xe2: {  	s15 =	simm.s32 $0x30;
	s14 =	smov.u32 s5;
	v11 =	vmov s31;
	[tilespmem:s5+$0x0] =	vst v12  }
.LBB2_5:
0xe3: {  	p0 =	sne.s32 s15, $0x70;
	v11 =	vshll.u32 v11, $0x7;
	v12 =	vld.idx.msk [tilespmem:v10+s24+$0x0], $0xffff  }
0xe4: {  	v10 =	vor.u32 v8, v11  }
.Ltmp1:
0xe5: {  	v10 =	vadd.s32 v9, v10;
	(pc) =	sbr.rel @p0 .LBB2_5-.Ltmp1, $3  }
0xe6: {  	_ =	sdelay $0x1  }
0xe7: {  	s14 =	sadd.s32 $0x10, s14  }
0xe8: {  	v11 =	vmov s15;
	s15 =	sadd.s32 $0x10, s15;
	[tilespmem:s14+$0x0] =	vst v12  }
0xe9: {  	_ =	sdelay $0x2  }
0xea: {  	v11 =	vshll.u32 v11, $0x7  }
0xeb: {  	v10 =	vld.idx.msk [tilespmem:v10+s24+$0x0], $0xffff;
	v11 =	vor.u32 v8, v11  }
0xec: {  	v9 =	vadd.s32 v9, v11;
	_ =	sdelay $0x2  }
0xed: {  	s14 =	sadd.s32 $0x10, s14  }
0xee: {  	[tilespmem:s14+$0x0] =	vst v10  }
0xef: {  	v9 =	vld.idx.msk [tilespmem:v9+s24+$0x0], $0xffff;
	_ =	sdelay $0x2  }
0xf0: {  	s13 =	sadd.s32 $0x4, s13  }
0xf1: {  	s15 =	sshll.u32 s13, $0x4;
	s14 =	sadd.s32 $0x10, s14  }
0xf2: {  	s26 =	sand.u32 $0x3FFFFFF0, s15;
	[tilespmem:s14+$0x0] =	vst v9  }
0xf3: {  	v9 =	vld [tilespmem:s26+$0x5100];
	_ =	sdelay $0x4  }
0xf4: {  	(v2sf) =	vpush v9, $0x0;
	_ =	sdelay $0xe  }
0xf5: {  	s31 =	spop (v2sf)  }
0xf6: {  	p0 =	slt.s32 s31, $0x1  }
0xf7: {  	s13 =	sshll.u32 @!p0 s13, $0x7  }
0xf8: {  	s14 =	simm.s32 @!p0 $0x80;
	s15 =	simm.s32 @!p0 $0x9E80;
	s13 =	sand.u32 @!p0 $0x3FFFFF80, s13  }
0xf9: {  	[tilespmem:s15], [sflag:$0x2] =	stream.indirect.gather @!p0 [hbm4b:s1+s14], $0x80, s13, s14, $0xb8;
	[tilespmem:$0x1DE80] =	vst v63  }
0xfa: {  	v9 =	vld [tilespmem:s12+$0x5100];
	_ =	sdelay $0x4  }
0xfb: {  	(v2sf) =	vpush v9, $0x0;
	_ =	sdelay $0xe  }
0xfc: {  	s15 =	spop (v2sf)  }
0xfd: {  	p0 =	slt.s32 s15, $0x1  }
0xfe: {  	s13 =	simm.s32 @!p0 $0x3  }
0xff: {  	_ =	swait.ge @!p0 [sflag:s13], $0x4000  }
0x100: {  	[sflag:s13] =	ssyncset.done @!p0 $0x0  }
0x101: {  	[sflag:s13] =	ssyncadd.s32 @!p0 $0xFFFFC000  }
0x102: {  	v9 =	vld [tilespmem:s12+$0x4800]  }
0x103: {  	s18 =	simm.s32 $0x0  }
0x104: {  	v10 =	vmov s18  }
0x105: {  	v10 =	vshll.u32 v10, $0x7  }
0x106: {  	v10 =	vor.u32 v8, v10  }
0x107: {  	v10 =	vadd.s32 v9, v10;
	_ =	sdelay $0x3  }
0x108: {  	s26 =	simm.s32 $0x10  }
0x109: {  	v12 =	vld.idx.msk [tilespmem:v10+s25+$0x0], $0xffff;
	v10 =	vmov s26  }
0x10a: {  	v10 =	vshll.u32 v10, $0x7  }
0x10b: {  	v10 =	vor.u32 v8, v10  }
0x10c: {  	v10 =	vadd.s32 v9, v10;
	_ =	sdelay $0x2  }
0x10d: {  	s31 =	simm.s32 $0x20  }
0x10e: {  	v11 =	vmov s31;
	s13 =	simm.s32 $0x30;
	s12 =	smov.u32 s8;
	[tilespmem:s8+$0x0] =	vst v12  }
.LBB2_7:
0x10f: {  	p0 =	sne.s32 s13, $0x70;
	v11 =	vshll.u32 v11, $0x7;
	v12 =	vld.idx.msk [tilespmem:v10+s25+$0x0], $0xffff  }
0x110: {  	v10 =	vor.u32 v8, v11  }
.Ltmp2:
0x111: {  	v10 =	vadd.s32 v9, v10;
	(pc) =	sbr.rel @p0 .LBB2_7-.Ltmp2, $3  }
0x112: {  	_ =	sdelay $0x1  }
0x113: {  	s12 =	sadd.s32 $0x10, s12  }
0x114: {  	v11 =	vmov s13;
	s13 =	sadd.s32 $0x10, s13;
	[tilespmem:s12+$0x0] =	vst v12  }
0x115: {  	_ =	sdelay $0x2  }
0x116: {  	v11 =	vshll.u32 v11, $0x7  }
0x117: {  	v10 =	vld.idx.msk [tilespmem:v10+s25+$0x0], $0xffff;
	v11 =	vor.u32 v8, v11  }
0x118: {  	v9 =	vadd.s32 v9, v11;
	_ =	sdelay $0x2  }
0x119: {  	s12 =	sadd.s32 $0x10, s12  }
0x11a: {  	[tilespmem:s12+$0x0] =	vst v10  }
0x11b: {  	v9 =	vld.idx.msk [tilespmem:v9+s25+$0x0], $0xffff;
	_ =	sdelay $0x3  }
0x11c: {  	s13 =	sshll.u32 s10, $0x4;
	s12 =	sadd.s32 $0x10, s12  }
0x11d: {  	s18 =	sand.u32 $0x3FFFFFF0, s13;
	[tilespmem:s12+$0x0] =	vst v9  }
0x11e: {  	v9 =	vld [tilespmem:s18+$0x5B00];
	_ =	sdelay $0x4  }
0x11f: {  	(v2sf) =	vpush v9, $0x0;
	_ =	sdelay $0xe  }
0x120: {  	s10 =	sadd.s32 $0x1, s10;
	s26 =	spop (v2sf)  }
0x121: {  	p0 =	sne.s32 s10, $0x20;
	s31 =	sshll.u32 s26, $0x9;
	s12 =	sshll.u32 s26, $0x7  }
.Ltmp3:
0x122: {  	s13 =	sand.u32 $0xFFFFF000, s31;
	s12 =	sand.u32 $0x380, s12;
	(pc) =	sbr.rel @p0 .LBB2_2-.Ltmp3, $4  }
0x123: {  	s12 =	sor.u32 s12, s13  }
0x124: {  	s9 =	sadd.s32 $0x200, s9;
	s12 =	sshrl.u32 s12, $0x3  }
0x125: {  	s5 =	sadd.s32 $0x200, s5;
	s8 =	sadd.s32 $0x200, s8;
	s12 =	sadd.s32 s7, s12  }
0x126: {  	[hbm4b:s12+s19] =	stream.strided.scatter [tilespmem:s11], [sflag:$0x6], $0x200, s20, s19, $0x38;
	[tilespmem:$0x1DE80] =	vst v63  }
0x127: {  	v9 =	vld [tilespmem:$0x5780];
	_ =	sdelay $0x4  }
0x128: {  	(v2sf) =	vpush v9, $0x0;
	_ =	sdelay $0xe  }
0x129: {  	s5 =	spop (v2sf)  }
0x12a: {  	p0 =	slt.s32 s5, $0x1  }
0x12b: {  	s5 =	simm.s32 @!p0 $0x80;
	s8 =	simm.s32 @!p0 $0x3000;
	s9 =	simm.s32 @!p0 $0x5E80  }
0x12c: {  	[tilespmem:s9], [sflag:$0x1] =	stream.indirect.gather @!p0 [hbm4b:s2+s5], $0x80, s8, s5, $0xb8;
	[tilespmem:$0x1DE80] =	vst v63  }
0x12d: {  	v9 =	vld [tilespmem:$0x5790];
	_ =	sdelay $0x4  }
0x12e: {  	(v2sf) =	vpush v9, $0x0;
	_ =	sdelay $0xe  }
0x12f: {  	s26 =	spop (v2sf)  }
0x130: {  	s31 =	simm.s32 $0x0;
	s15 =	simm.s32 $0x1BE80;
	p0 =	slt.s32 s26, $0x1  }
0x131: {  	s5 =	simm.s32 @!p0 $0x80;
	s8 =	simm.s32 @!p0 $0x3080;
	s9 =	simm.s32 @!p0 $0x9E80  }
0x132: {  	[tilespmem:s9], [sflag:$0x2] =	stream.indirect.gather @!p0 [hbm4b:s2+s5], $0x80, s8, s5, $0xb8;
	[tilespmem:$0x1DE80] =	vst v63  }
0x133: {  	s10 =	simm.s32 $0x0;
	s8 =	simm.s32 $0x1BF00;
	s9 =	simm.s32 $0x1BF80  }
.LBB2_10:
0x134: {  	s13 =	smul.u32 $0x3, s10;
	_ =	sdelay $0x1  }
0x135: {  	s5 =	sadd.s32 $0x2, s13  }
0x136: {  	s12 =	sshll.u32 s5, $0x4  }
0x137: {  	v9 =	vld [tilespmem:s12+$0x5780];
	_ =	sdelay $0x4  }
0x138: {  	(v2sf) =	vpush v9, $0x0;
	_ =	sdelay $0xe  }
0x139: {  	s11 =	spop (v2sf)  }
0x13a: {  	p0 =	slt.s32 s11, $0x1  }
0x13b: {  	s5 =	sshll.u32 @!p0 s5, $0x7  }
0x13c: {  	s14 =	smul.u32 $0x30, s10;
	s5 =	sand.u32 @!p0 $0x3FFFFF80, s5  }
0x13d: {  	s11 =	simm.s32 @!p0 $0x80;
	s18 =	simm.s32 @!p0 $0xDE80;
	s5 =	sadd.s32 @!p0 $0x3000, s5  }
0x13e: {  	[tilespmem:s18], [sflag:$0x3] =	stream.indirect.gather @!p0 [hbm4b:s2+s11], $0x80, s5, s11, $0xb8;
	[tilespmem:$0x1DE80] =	vst v63  }
0x13f: {  	v9 =	vld [tilespmem:s14+$0x5780];
	_ =	sdelay $0x4  }
0x140: {  	(v2sf) =	vpush v9, $0x0;
	_ =	sdelay $0xe  }
0x141: {  	s26 =	spop (v2sf)  }
0x142: {  	p0 =	slt.s32 s26, $0x1  }
0x143: {  	s5 =	simm.s32 @!p0 $0x1  }
0x144: {  	_ =	swait.ge @!p0 [sflag:s5], $0x4000  }
0x145: {  	[sflag:s5] =	ssyncset.done @!p0 $0x0  }
0x146: {  	[sflag:s5] =	ssyncadd.s32 @!p0 $0xFFFFC000  }
0x147: {  	v9 =	vld [tilespmem:s14+$0x4E00];
	_ =	sdelay $0x1  }
0x148: {  	v10 =	vmov s31  }
0x149: {  	v10 =	vshll.u32 v10, $0x7  }
0x14a: {  	v10 =	vor.u32 v8, v10  }
0x14b: {  	v10 =	vadd.s32 v9, v10;
	_ =	sdelay $0x3  }
0x14c: {  	s11 =	simm.s32 $0x10  }
0x14d: {  	v12 =	vld.idx.msk [tilespmem:v10+s23+$0x0], $0xffff;
	v10 =	vmov s11  }
0x14e: {  	v10 =	vshll.u32 v10, $0x7  }
0x14f: {  	v10 =	vor.u32 v8, v10  }
0x150: {  	v10 =	vadd.s32 v9, v10;
	_ =	sdelay $0x1  }
0x151: {  	s18 =	sshll.u32 s10, $0xB  }
0x152: {  	s26 =	simm.s32 $0x20;
	s5 =	sshra.s32 s18, $0x2  }
0x153: {  	v11 =	vmov s26;
	s18 =	simm.s32 $0x30;
	s11 =	sadd.s32 $0x1BE80, s5;
	s5 =	smov.u32 s15;
	[tilespmem:s15+$0x0] =	vst v12  }
.LBB2_11:
0x154: {  	p0 =	sne.s32 s18, $0x70;
	v11 =	vshll.u32 v11, $0x7;
	v12 =	vld.idx.msk [tilespmem:v10+s23+$0x0], $0xffff  }
0x155: {  	v10 =	vor.u32 v8, v11  }
.Ltmp4:
0x156: {  	v10 =	vadd.s32 v9, v10;
	(pc) =	sbr.rel @p0 .LBB2_11-.Ltmp4, $3  }
0x157: {  	_ =	sdelay $0x1  }
0x158: {  	s5 =	sadd.s32 $0x10, s5  }
0x159: {  	v11 =	vmov s18;
	s18 =	sadd.s32 $0x10, s18;
	[tilespmem:s5+$0x0] =	vst v12  }
0x15a: {  	_ =	sdelay $0x2  }
0x15b: {  	v11 =	vshll.u32 v11, $0x7  }
0x15c: {  	v10 =	vld.idx.msk [tilespmem:v10+s23+$0x0], $0xffff;
	v11 =	vor.u32 v8, v11  }
0x15d: {  	v9 =	vadd.s32 v9, v11;
	_ =	sdelay $0x2  }
0x15e: {  	s5 =	sadd.s32 $0x10, s5  }
0x15f: {  	[tilespmem:s5+$0x0] =	vst v10  }
0x160: {  	v9 =	vld.idx.msk [tilespmem:v9+s23+$0x0], $0xffff;
	_ =	sdelay $0x2  }
0x161: {  	s18 =	sadd.s32 $0x3, s13  }
0x162: {  	s26 =	sshll.u32 s18, $0x4;
	s5 =	sadd.s32 $0x10, s5  }
0x163: {  	s26 =	sand.u32 $0x3FFFFFF0, s26;
	[tilespmem:s5+$0x0] =	vst v9  }
0x164: {  	v9 =	vld [tilespmem:s26+$0x5780];
	_ =	sdelay $0x4  }
0x165: {  	(v2sf) =	vpush v9, $0x0;
	_ =	sdelay $0xe  }
0x166: {  	s26 =	spop (v2sf)  }
0x167: {  	p0 =	slt.s32 s26, $0x1  }
0x168: {  	s5 =	sshll.u32 @!p0 s18, $0x7  }
0x169: {  	s5 =	sand.u32 @!p0 $0x3FFFFF80, s5  }
0x16a: {  	s18 =	simm.s32 @!p0 $0x80;
	s26 =	simm.s32 @!p0 $0x5E80;
	s5 =	sadd.s32 @!p0 $0x3000, s5  }
0x16b: {  	[tilespmem:s26], [sflag:$0x1] =	stream.indirect.gather @!p0 [hbm4b:s2+s18], $0x80, s5, s18, $0xb8;
	[tilespmem:$0x1DE80] =	vst v63  }
0x16c: {  	v9 =	vld [tilespmem:s14+$0x5790];
	_ =	sdelay $0x4  }
0x16d: {  	(v2sf) =	vpush v9, $0x0;
	_ =	sdelay $0xe  }
0x16e: {  	s18 =	spop (v2sf)  }
0x16f: {  	p0 =	slt.s32 s18, $0x1  }
0x170: {  	s5 =	simm.s32 @!p0 $0x2  }
0x171: {  	_ =	swait.ge @!p0 [sflag:s5], $0x4000  }
0x172: {  	[sflag:s5] =	ssyncset.done @!p0 $0x0  }
0x173: {  	s26 =	sadd.s32 $0x10, s14;
	[sflag:s5] =	ssyncadd.s32 @!p0 $0xFFFFC000  }
0x174: {  	v9 =	vld [tilespmem:s26+$0x4E00]  }
0x175: {  	s14 =	simm.s32 $0x0  }
0x176: {  	v10 =	vmov s14  }
0x177: {  	v10 =	vshll.u32 v10, $0x7  }
0x178: {  	v10 =	vor.u32 v8, v10  }
0x179: {  	v10 =	vadd.s32 v9, v10;
	_ =	sdelay $0x3  }
0x17a: {  	s18 =	simm.s32 $0x10  }
0x17b: {  	v12 =	vld.idx.msk [tilespmem:v10+s24+$0x0], $0xffff;
	v10 =	vmov s18  }
0x17c: {  	v10 =	vshll.u32 v10, $0x7  }
0x17d: {  	v10 =	vor.u32 v8, v10  }
0x17e: {  	v10 =	vadd.s32 v9, v10;
	_ =	sdelay $0x2  }
0x17f: {  	s26 =	simm.s32 $0x20  }
0x180: {  	s14 =	simm.s32 $0x30;
	s5 =	smov.u32 s8;
	v11 =	vmov s26;
	[tilespmem:s8+$0x0] =	vst v12  }
.LBB2_13:
0x181: {  	p0 =	sne.s32 s14, $0x70;
	v11 =	vshll.u32 v11, $0x7;
	v12 =	vld.idx.msk [tilespmem:v10+s24+$0x0], $0xffff  }
0x182: {  	v10 =	vor.u32 v8, v11  }
.Ltmp5:
0x183: {  	v10 =	vadd.s32 v9, v10;
	(pc) =	sbr.rel @p0 .LBB2_13-.Ltmp5, $3  }
0x184: {  	_ =	sdelay $0x1  }
0x185: {  	s5 =	sadd.s32 $0x10, s5  }
0x186: {  	v11 =	vmov s14;
	s14 =	sadd.s32 $0x10, s14;
	[tilespmem:s5+$0x0] =	vst v12  }
0x187: {  	_ =	sdelay $0x2  }
0x188: {  	v11 =	vshll.u32 v11, $0x7  }
0x189: {  	v10 =	vld.idx.msk [tilespmem:v10+s24+$0x0], $0xffff;
	v11 =	vor.u32 v8, v11  }
0x18a: {  	v9 =	vadd.s32 v9, v11;
	_ =	sdelay $0x2  }
0x18b: {  	s5 =	sadd.s32 $0x10, s5  }
0x18c: {  	[tilespmem:s5+$0x0] =	vst v10  }
0x18d: {  	v9 =	vld.idx.msk [tilespmem:v9+s24+$0x0], $0xffff;
	_ =	sdelay $0x2  }
0x18e: {  	s13 =	sadd.s32 $0x4, s13  }
0x18f: {  	s14 =	sshll.u32 s13, $0x4;
	s5 =	sadd.s32 $0x10, s5  }
0x190: {  	s18 =	sand.u32 $0x3FFFFFF0, s14;
	[tilespmem:s5+$0x0] =	vst v9  }
0x191: {  	v9 =	vld [tilespmem:s18+$0x5780];
	_ =	sdelay $0x4  }
0x192: {  	(v2sf) =	vpush v9, $0x0;
	_ =	sdelay $0xe  }
0x193: {  	s26 =	spop (v2sf)  }
0x194: {  	p0 =	slt.s32 s26, $0x1  }
0x195: {  	s5 =	sshll.u32 @!p0 s13, $0x7  }
0x196: {  	s5 =	sand.u32 @!p0 $0x3FFFFF80, s5  }
0x197: {  	s13 =	simm.s32 @!p0 $0x80;
	s14 =	simm.s32 @!p0 $0x9E80;
	s5 =	sadd.s32 @!p0 $0x3000, s5  }
0x198: {  	[tilespmem:s14], [sflag:$0x2] =	stream.indirect.gather @!p0 [hbm4b:s2+s13], $0x80, s5, s13, $0xb8;
	[tilespmem:$0x1DE80] =	vst v63  }
0x199: {  	v9 =	vld [tilespmem:s12+$0x5780];
	_ =	sdelay $0x4  }
0x19a: {  	(v2sf) =	vpush v9, $0x0;
	_ =	sdelay $0xe  }
0x19b: {  	s13 =	spop (v2sf)  }
0x19c: {  	p0 =	slt.s32 s13, $0x1  }
0x19d: {  	s5 =	simm.s32 @!p0 $0x3  }
0x19e: {  	_ =	swait.ge @!p0 [sflag:s5], $0x4000  }
0x19f: {  	[sflag:s5] =	ssyncset.done @!p0 $0x0  }
0x1a0: {  	[sflag:s5] =	ssyncadd.s32 @!p0 $0xFFFFC000  }
0x1a1: {  	v9 =	vld [tilespmem:s12+$0x4E00]  }
0x1a2: {  	s14 =	simm.s32 $0x0  }
0x1a3: {  	v10 =	vmov s14  }
0x1a4: {  	v10 =	vshll.u32 v10, $0x7  }
0x1a5: {  	v10 =	vor.u32 v8, v10  }
0x1a6: {  	v10 =	vadd.s32 v9, v10;
	_ =	sdelay $0x3  }
0x1a7: {  	s18 =	simm.s32 $0x10  }
0x1a8: {  	v12 =	vld.idx.msk [tilespmem:v10+s25+$0x0], $0xffff;
	v10 =	vmov s18  }
0x1a9: {  	v10 =	vshll.u32 v10, $0x7  }
0x1aa: {  	v10 =	vor.u32 v8, v10  }
0x1ab: {  	v10 =	vadd.s32 v9, v10;
	_ =	sdelay $0x2  }
0x1ac: {  	s26 =	simm.s32 $0x20  }
0x1ad: {  	v11 =	vmov s26;
	s5 =	smov.u32 s9;
	s12 =	simm.s32 $0x30;
	[tilespmem:s9+$0x0] =	vst v12  }
.LBB2_15:
0x1ae: {  	p0 =	sne.s32 s12, $0x70;
	v11 =	vshll.u32 v11, $0x7;
	v12 =	vld.idx.msk [tilespmem:v10+s25+$0x0], $0xffff  }
0x1af: {  	v10 =	vor.u32 v8, v11  }
.Ltmp6:
0x1b0: {  	v10 =	vadd.s32 v9, v10;
	(pc) =	sbr.rel @p0 .LBB2_15-.Ltmp6, $3  }
0x1b1: {  	_ =	sdelay $0x1  }
0x1b2: {  	s5 =	sadd.s32 $0x10, s5  }
0x1b3: {  	v11 =	vmov s12;
	s12 =	sadd.s32 $0x10, s12;
	[tilespmem:s5+$0x0] =	vst v12  }
0x1b4: {  	_ =	sdelay $0x2  }
0x1b5: {  	v11 =	vshll.u32 v11, $0x7  }
0x1b6: {  	v10 =	vld.idx.msk [tilespmem:v10+s25+$0x0], $0xffff;
	v11 =	vor.u32 v8, v11  }
0x1b7: {  	v9 =	vadd.s32 v9, v11;
	_ =	sdelay $0x2  }
0x1b8: {  	s5 =	sadd.s32 $0x10, s5  }
0x1b9: {  	[tilespmem:s5+$0x0] =	vst v10  }
0x1ba: {  	v9 =	vld.idx.msk [tilespmem:v9+s25+$0x0], $0xffff;
	_ =	sdelay $0x3  }
0x1bb: {  	s12 =	sshll.u32 s10, $0x4;
	s5 =	sadd.s32 $0x10, s5  }
0x1bc: {  	s14 =	sand.u32 $0xF0, s12;
	[tilespmem:s5+$0x0] =	vst v9  }
0x1bd: {  	v9 =	vld [tilespmem:s14+$0x5D00];
	_ =	sdelay $0x4  }
0x1be: {  	(v2sf) =	vpush v9, $0x0;
	_ =	sdelay $0xe  }
0x1bf: {  	s10 =	sadd.s32 $0x1, s10;
	s18 =	spop (v2sf)  }
0x1c0: {  	p0 =	sne.s32 s10, $0x10;
	s26 =	sshll.u32 s18, $0x9;
	s5 =	sshll.u32 s18, $0x7  }
.Ltmp7:
0x1c1: {  	s12 =	sand.u32 $0xFFFFF000, s26;
	s5 =	sand.u32 $0x380, s5;
	(pc) =	sbr.rel @p0 .LBB2_10-.Ltmp7, $4  }
0x1c2: {  	s5 =	sor.u32 s5, s12  }
0x1c3: {  	s15 =	sadd.s32 $0x200, s15;
	s5 =	sshrl.u32 s5, $0x3  }
0x1c4: {  	s8 =	sadd.s32 $0x200, s8;
	s9 =	sadd.s32 $0x200, s9;
	s5 =	sadd.s32 s7, s5  }
0x1c5: {  	[hbm4b:s5+s19] =	stream.strided.scatter [tilespmem:s11], [sflag:$0x6], $0x200, s20, s19, $0x38;
	[tilespmem:$0x1DE80] =	vst v63  }
0x1c6: {  	_ =	swait.ge [sflag:s28], $0x200  }
0x1c7: {  	s5 =	simm.s32 $0x2F;
	[sflag:s28] =	ssyncset.done $0x0  }
.LBB2_18:
0x1c8: {  	p0 =	sne.s32 s5, $0x1;
	s5 =	sadd.s32 $0xFFFFFFFF, s5;
	[sflag:s28] =	ssyncadd.s32 $0xFFFFFE00  }
.Ltmp8:
0x1c9: {  	(pc) =	sbr.rel @p0 .LBB2_18-.Ltmp8, $3  }
0x1ca: {  	_ =	sdelay $0x1  }
0x1cb: {  	_ =	swait.ge [sflag:s28], $0x200  }
0x1cc: {  	[sflag:s28] =	ssyncset.done $0x0  }
0x1cd: {  	s29 =	sadd.s32 $0x1, s29;
	s5 =	rddreg [dreg:$0xe]  }
0x1ce: {  	p0 =	sne.s32 s29, s5  }
.Ltmp9:
0x1cf: {  	_ = 	snop;
	(pc) =	sbr.rel @p0 .LBB2_1-.Ltmp9, $2  }
0x1d0: {  	_ =	sdelay $0x2  }
0x1d1: {  	[sflag:s28] =	ssyncadd.s32 $0xFFFFFE00  }
0x1d2: {  	_ =	sfence.sel $0x180000  }
0x1d3: {  	[bflag:$0x0] =	sbarrier.arrive $0xFFFF  }
0x1d4: {  	_ =	strace $0x90000047  }
0x1d5: {  	s0 =	stileid.u32;
	[bflag:$0x2] =	sbarrier.arrive $0xFFFF  }
0x1d6: {  	p0 =	sne.s32 s0, $0x0;
	s0 =	rddreg [dreg:$0x5]  }
0x1d7: {  	s0 =	sadd.s32 @!p0 $0x100000, s0  }
0x1d8: {  	[sflag:s0] =	ssyncadd.tile.s32 @!p0 $0x1;
	_ =	shalt  }
.Lfunc_end2:
_tile_overlayer_lowered:
.L_overlay_start_2:
0x1d9: {  	(tag) =	ssettag $0x2  }
0x1da: {  	s0 =	rddreg [dreg:$0x0];
	s2 =	stileid.u32  }
0x1db: {  	s1 =	rddreg [dreg:$0x1];
	p0 =	sne.s32 s2, $0x0  }
0x1dc: {  	s3 =	rddreg [dreg:$0x2];
	[bflag:$0x3] =	sbarrier.arrive $0xFFFF;
	s2 =	simm.s32 @!p0 $0x1C07  }
0x1dd: {  	[timem:s3], [sflag:s2] =	dma.local @!p0 [hbm:s0], s1  }
0x1de: {  	s0 =	simm.s32 @!p0 $0x7  }
0x1df: {  	_ =	swait.ge @!p0 [sflag:s0], s1  }
0x1e0: {  	s1 =	ssub.s32 @!p0 $0x0, s1;
	[sflag:s0] =	ssyncset.done @!p0 $0x0  }
0x1e1: {  	[sflag:s0] =	ssyncadd.s32 @!p0 s1  }
0x1e2: {  	[bflag:$0x3] =	sbarrier.arrive $0xFFFF  }
0x1e3: {  	_ =	shalt  }

</sc_bundles>
